<compile_context>
chip_gen: v7x
topology: tpu7x:2x2x1
jax: 0.10.2.dev20260603
libtpu: 0.0.44.dev20260713+nightly
codegen_flags: <defaults>
</compile_context>

<pallas_src>
import functools

import jax
import jax.numpy as jnp
from jax import lax
from jax.experimental import pallas as pl
from jax.experimental.pallas import tpu as pltpu
from jax.experimental.pallas import tpu_sc as plsc

EMB = 64
BATCH = 4096
HIST = 200
VOC = 1_000_000
LANES = 16
NC = 2
NS = 16
NW = NC * NS
ROWS_PER_W = BATCH // NW
GROUPS = ROWS_PER_W // LANES
LROWS_PER_CHUNK = 4
CHUNK = LROWS_PER_CHUNK * ROWS_PER_W
WAVES = 2
CHUNKS_PER_WAVE = HIST // LROWS_PER_CHUNK // WAVES

TC_BLK = 32768


def _tc_body(w_ref, b_ref, tab_ref, t_ref):
    t_ref[...] = (
        jnp.dot(w_ref[...], tab_ref[...],
                preferred_element_type=jnp.float32)[0]
        + b_ref[0, 0]
    )


_score_table_tc = pl.pallas_call(
    _tc_body,
    grid=(pl.cdiv(VOC, TC_BLK),),
    in_specs=[
        pl.BlockSpec((1, EMB), lambda i: (0, 0)),
        pl.BlockSpec((1, 1), lambda i: (0, 0)),
        pl.BlockSpec((EMB, TC_BLK), lambda i: (0, i)),
    ],
    out_specs=pl.BlockSpec((TC_BLK,), lambda i: (i,)),
    out_shape=jax.ShapeDtypeStruct((VOC,), jnp.float32),
)


def _sc_body(xw_hbm, t_hbm, out_hbm, idx_v, val_v, probs_v, t_sh, sem0, sem1):
    sid = lax.axis_index("s")
    wid = sid * NC + lax.axis_index("c")
    base = pl.multiple_of(wid * ROWS_PER_W, 8)

    @pl.when(sid == 0)
    def _():
        pltpu.make_async_copy(t_hbm, t_sh, sem0).start()

    pltpu.sync_copy(xw_hbm.at[wid], idx_v)

    @pl.when(sid == 0)
    def _():
        pltpu.make_async_copy(t_hbm, t_sh, sem0).wait()

    plsc.subcore_barrier()

    def fire_wave(w, sem):
        def fire(j, carry):
            l = w * CHUNKS_PER_WAVE + j
            o = pl.multiple_of(l * CHUNK, 8)
            pltpu.make_async_copy(
                t_sh.at[idx_v.at[pl.ds(o, CHUNK)]],
                val_v.at[pl.ds(o, CHUNK)], sem
            ).start()
            return carry

        lax.fori_loop(0, CHUNKS_PER_WAVE, fire, 0)

    def drain_wave(sem):
        n = CHUNKS_PER_WAVE * CHUNK
        pltpu.make_async_copy(
            t_sh.at[pl.ds(0, n)], val_v.at[pl.ds(0, n)], sem
        ).wait()

    fire_wave(0, sem0)
    fire_wave(1, sem1)

    def make_acc_body(g):
        def acc_body(j, acc):
            o = pl.multiple_of(4 * j * ROWS_PER_W + g * LANES, 8)
            acc = acc + val_v[pl.ds(o, LANES)]
            acc = acc + val_v[pl.ds(o + ROWS_PER_W, LANES)]
            acc = acc + val_v[pl.ds(o + 2 * ROWS_PER_W, LANES)]
            acc = acc + val_v[pl.ds(o + 3 * ROWS_PER_W, LANES)]
            return acc

        return acc_body

    half = HIST // 4 // 2
    drain_wave(sem0)
    accs = [
        lax.fori_loop(0, half, make_acc_body(g),
                      jnp.zeros((LANES,), jnp.float32))
        for g in range(GROUPS)
    ]
    drain_wave(sem1)
    inv = 1.0 / HIST
    for g in range(GROUPS):
        acc = lax.fori_loop(half, 2 * half, make_acc_body(g), accs[g])
        logits = acc * inv
        probs_v[pl.ds(g * LANES, LANES)] = 1.0 / (1.0 + jnp.exp(-logits))

    pltpu.sync_copy(probs_v, out_hbm.at[pl.ds(base, ROWS_PER_W)])


_embed_avg_sc = functools.partial(
    pl.kernel,
    mesh=plsc.VectorSubcoreMesh(core_axis_name="c", subcore_axis_name="s"),
    out_type=jax.ShapeDtypeStruct((BATCH,), jnp.float32),
    compiler_params=pltpu.CompilerParams(
        needs_layout_passes=False, use_tc_tiling_on_sc=False),
    scratch_types=[
        pltpu.VMEM((HIST * ROWS_PER_W,), jnp.int32),
        pltpu.VMEM((HIST * ROWS_PER_W,), jnp.float32),
        pltpu.VMEM((ROWS_PER_W,), jnp.float32),
        pltpu.VMEM_SHARED((VOC,), jnp.float32),
        pltpu.SemaphoreType.DMA,
        pltpu.SemaphoreType.DMA,
    ],
)(_sc_body)


def kernel(x, emb_table, W, b):
    t = _score_table_tc(
        W.astype(jnp.float32),
        b.reshape(1, 1).astype(jnp.float32),
        emb_table.T,
    )
    xw = (x.T.reshape(HIST, NW, ROWS_PER_W)
          .transpose(1, 0, 2)
          .reshape(NW, HIST * ROWS_PER_W))
    out = _embed_avg_sc(xw, t)
    return out.reshape(BATCH, 1)

# --- scband reference (transcript-rebuilt; emitter-appended) ---
"""Pipeline reference for scband-embed-avg-45174466019972 (READ-ONLY COPY).

The authoritative reference and input builder live on the scoring server;
editing this copy changes nothing except your own understanding.
"""

import jax
import jax.numpy as jnp
import numpy as np

VOC_SIZE = 1000000
EMB_SIZE = 64
OUT_SIZE = 1
BATCH = 4096
HIST = 200


def setup_inputs(seed: int = 0) -> dict:
    key = jax.random.key(seed)
    k1, k2, k3 = jax.random.split(key, 3)
    x = jax.random.randint(k1, (BATCH, HIST), 0, VOC_SIZE, dtype=jnp.int32)
    emb_table = jax.random.normal(k2, (VOC_SIZE, EMB_SIZE), dtype=jnp.float32) * 0.02
    emb_table = emb_table.at[0].set(0.0)  # padding_idx=0
    W = jax.random.normal(k3, (OUT_SIZE, EMB_SIZE), dtype=jnp.float32) * (1.0 / np.sqrt(EMB_SIZE))
    b = jnp.zeros((OUT_SIZE,), dtype=jnp.float32)
    return {"x": x, "emb_table": emb_table, "W": W, "b": b}


def reference(x, emb_table, W, b):
    # nn.Embedding with padding_idx=0 (row 0 is all zeros)
    table = emb_table.at[0].set(0.0)
    emb = jnp.take(table, x, axis=0)  # [B, L, E]
    # F.avg_pool2d(emb, (L, 1)).squeeze() == mean over the sequence axis
    emb_avg = jnp.mean(emb, axis=1)  # [B, E]
    # Dropout is identity in eval mode
    logits = emb_avg @ W.T + b
    output = jax.nn.sigmoid(logits)  # [B, OUT_SIZE]
    return output

if __name__ == "__main__":
    import jax
    _d = setup_inputs()
    print(jax.jit(kernel)(*tuple(_d.values())))

</pallas_src>

<mosaic_0001>
#map = affine_map<(d0, d1) -> (0, 0)>
#map1 = affine_map<(d0, d1) -> (0)>
module attributes {stable_mosaic.version = 14 : i64} {
  func.func @_sc_body(%arg0: i32, %arg1: i32, %arg2: memref<32x25600xi32, #tpu.memory_space<hbm>>, %arg3: memref<1000000xf32, #tpu.memory_space<hbm>>, %arg4: memref<4096xf32, #tpu.memory_space<hbm>>, %arg5: memref<25600xi32, #tpu.memory_space<vmem>>, %arg6: memref<25600xf32, #tpu.memory_space<vmem>>, %arg7: memref<128xf32, #tpu.memory_space<vmem>>, %arg8: memref<1000000xf32, #tpu.memory_space<vmem_shared>>, %arg9: memref<!tpu.dma_semaphore, #tpu.memory_space<semaphore_mem>>, %arg10: memref<!tpu.dma_semaphore, #tpu.memory_space<semaphore_mem>>) attributes {dimension_semantics = [#tpu.dimension_semantics<core_parallel>, #tpu.dimension_semantics<subcore_parallel>], iteration_bounds = array<i64: 2, 16>, scalar_prefetch = 0 : i64, scratch_operands = 6 : i64, tpu.core_type = #tpu.core_type<sc_vector_subcore>, window_params = [{transform_indices = #map}, {transform_indices = #map1}, {transform_indices = #map1}]} {
    %mul3A = arith.constant 2 : i32
    %mul3A_0 = arith.muli %arg1, %mul3A : i32
    %add3A = arith.addi %mul3A_0, %arg0 : i32
    %mul3A_1 = arith.constant 128 : i32
    %mul3A_2 = arith.muli %add3A, %mul3A_1 : i32
    %multiple_of3A = tpu.assume_multiple %mul3A_2, 8 : i32
    %eq3A = arith.constant 0 : i32
    %eq3A_3 = arith.cmpi eq, %arg1, %eq3A : i32
    %convert_element_type3A = arith.extui %eq3A_3 : i1 to i32
    %cond3A = arith.constant 0 : i32
    %cond3A_4 = arith.cmpi ne, %convert_element_type3A, %cond3A : i32
    scf.if %cond3A_4 {
      tpu.enqueue_dma source(%arg3 : memref<1000000xf32, #tpu.memory_space<hbm>>) target(%arg8 : memref<1000000xf32, #tpu.memory_space<vmem_shared>>) target_semaphore(%arg9 : memref<!tpu.dma_semaphore, #tpu.memory_space<semaphore_mem>>)
    } else {
    }
    "tpu.region"() ({
      %run_scoped3A = tpu.sem_alloc : memref<!tpu.dma_semaphore, #tpu.memory_space<semaphore_mem>>
      %dma_start3A = arith.constant 0 : i32
      %dma_start3A_263 = tpu.memref_slice %arg2[%add3A, %dma_start3A] : memref<32x25600xi32, #tpu.memory_space<hbm>> -> memref<1x25600xi32, #tpu.memory_space<hbm>>
      %dma_start3A_264 = tpu.memref_squeeze %dma_start3A_263 : memref<1x25600xi32, #tpu.memory_space<hbm>> -> memref<25600xi32, #tpu.memory_space<hbm>>
      %dma_start3A_265 = arith.constant 0 : i32
      %dma_start3A_266 = tpu.memref_slice %arg2[%add3A, %dma_start3A_265] : memref<32x25600xi32, #tpu.memory_space<hbm>> -> memref<1x25600xi32, #tpu.memory_space<hbm>>
      %dma_start3A_267 = tpu.memref_squeeze %dma_start3A_266 : memref<1x25600xi32, #tpu.memory_space<hbm>> -> memref<25600xi32, #tpu.memory_space<hbm>>
      tpu.enqueue_dma source(%dma_start3A_267 : memref<25600xi32, #tpu.memory_space<hbm>>) target(%arg5 : memref<25600xi32, #tpu.memory_space<vmem>>) target_semaphore(%run_scoped3A : memref<!tpu.dma_semaphore, #tpu.memory_space<semaphore_mem>>)
      %dma_wait3A_268 = arith.constant 0 : i32
      %dma_wait3A_269 = tpu.memref_slice %arg2[%add3A, %dma_wait3A_268] : memref<32x25600xi32, #tpu.memory_space<hbm>> -> memref<1x25600xi32, #tpu.memory_space<hbm>>
      %dma_wait3A_270 = tpu.memref_squeeze %dma_wait3A_269 : memref<1x25600xi32, #tpu.memory_space<hbm>> -> memref<25600xi32, #tpu.memory_space<hbm>>
      %dma_wait3A_271 = arith.constant 0 : i32
      %dma_wait3A_272 = tpu.memref_slice %arg2[%add3A, %dma_wait3A_271] : memref<32x25600xi32, #tpu.memory_space<hbm>> -> memref<1x25600xi32, #tpu.memory_space<hbm>>
      %dma_wait3A_273 = tpu.memref_squeeze %dma_wait3A_272 : memref<1x25600xi32, #tpu.memory_space<hbm>> -> memref<25600xi32, #tpu.memory_space<hbm>>
      tpu.wait_dma2 semaphore(%run_scoped3A : memref<!tpu.dma_semaphore, #tpu.memory_space<semaphore_mem>>) src(%dma_wait3A_273 : memref<25600xi32, #tpu.memory_space<hbm>>) dst(%arg5 : memref<25600xi32, #tpu.memory_space<vmem>>)
      tpu.yield
    }) : () -> ()
    %eq3A_5 = arith.constant 0 : i32
    %eq3A_6 = arith.cmpi eq, %arg1, %eq3A_5 : i32
    %convert_element_type3A_7 = arith.extui %eq3A_6 : i1 to i32
    %cond3A_8 = arith.constant 0 : i32
    %cond3A_9 = arith.cmpi ne, %convert_element_type3A_7, %cond3A_8 : i32
    scf.if %cond3A_9 {
      tpu.wait_dma2 semaphore(%arg9 : memref<!tpu.dma_semaphore, #tpu.memory_space<semaphore_mem>>) src(%arg3 : memref<1000000xf32, #tpu.memory_space<hbm>>) dst(%arg8 : memref<1000000xf32, #tpu.memory_space<vmem_shared>>)
    } else {
    }
    %barrier3A = arith.constant 0 : index
    tpu.barrier barrier_id(%barrier3A)
    %scan3A = arith.constant 0 : i32
    %scan3A_10 = arith.constant 0 : i32
    %scan3A_11 = arith.constant 25 : i32
    %scan3A_12 = arith.addi %scan3A_10, %scan3A_11 : i32
    %scan3A_13 = arith.constant 1 : i32
    scf.for %scan3A_263 = %scan3A_10 to %scan3A_12 step %scan3A_13  : i32 {
      %add3A_264 = arith.constant 0 : i32
      %add3A_265 = arith.addi %add3A_264, %scan3A_263 : i32
      %mul3A_266 = arith.constant 512 : i32
      %mul3A_267 = arith.muli %add3A_265, %mul3A_266 : i32
      %multiple_of3A_268 = tpu.assume_multiple %mul3A_267, 8 : i32
      %dma_start3A = tpu.memref_slice %arg6[%multiple_of3A_268] : memref<25600xf32, #tpu.memory_space<vmem>> -> memref<512xf32, #tpu.memory_space<vmem>>
      %dma_start3A_269 = tpu.memref_slice %arg5[%multiple_of3A_268] : memref<25600xi32, #tpu.memory_space<vmem>> -> memref<512xi32, #tpu.memory_space<vmem>>
      %dma_start3A_270 = arith.constant 0 : i32
      %dma_start3A_271 = tpu.memref_slice %arg8[%dma_start3A_270] : memref<1000000xf32, #tpu.memory_space<vmem_shared>> -> memref<1000000xf32, #tpu.memory_space<vmem_shared>>
      tpu.enqueue_indirect_dma source(%dma_start3A_271 : memref<1000000xf32, #tpu.memory_space<vmem_shared>>) target(%dma_start3A : memref<512xf32, #tpu.memory_space<vmem>>) offsets(%dma_start3A_269 : memref<512xi32, #tpu.memory_space<vmem>>) semaphore(%arg9 : memref<!tpu.dma_semaphore, #tpu.memory_space<semaphore_mem>>)
    }
    %scan3A_14 = arith.constant 25 : i32
    %scan3A_15 = arith.constant 0 : i32
    %scan3A_16 = arith.constant 0 : i32
    %scan3A_17 = arith.constant 25 : i32
    %scan3A_18 = arith.addi %scan3A_16, %scan3A_17 : i32
    %scan3A_19 = arith.constant 1 : i32
    scf.for %scan3A_263 = %scan3A_16 to %scan3A_18 step %scan3A_19  : i32 {
      %add3A_264 = arith.constant 25 : i32
      %add3A_265 = arith.addi %add3A_264, %scan3A_263 : i32
      %mul3A_266 = arith.constant 512 : i32
      %mul3A_267 = arith.muli %add3A_265, %mul3A_266 : i32
      %multiple_of3A_268 = tpu.assume_multiple %mul3A_267, 8 : i32
      %dma_start3A = tpu.memref_slice %arg6[%multiple_of3A_268] : memref<25600xf32, #tpu.memory_space<vmem>> -> memref<512xf32, #tpu.memory_space<vmem>>
      %dma_start3A_269 = tpu.memref_slice %arg5[%multiple_of3A_268] : memref<25600xi32, #tpu.memory_space<vmem>> -> memref<512xi32, #tpu.memory_space<vmem>>
      %dma_start3A_270 = arith.constant 0 : i32
      %dma_start3A_271 = tpu.memref_slice %arg8[%dma_start3A_270] : memref<1000000xf32, #tpu.memory_space<vmem_shared>> -> memref<1000000xf32, #tpu.memory_space<vmem_shared>>
      tpu.enqueue_indirect_dma source(%dma_start3A_271 : memref<1000000xf32, #tpu.memory_space<vmem_shared>>) target(%dma_start3A : memref<512xf32, #tpu.memory_space<vmem>>) offsets(%dma_start3A_269 : memref<512xi32, #tpu.memory_space<vmem>>) semaphore(%arg10 : memref<!tpu.dma_semaphore, #tpu.memory_space<semaphore_mem>>)
    }
    %scan3A_20 = arith.constant 25 : i32
    %dma_wait3A = arith.constant 0 : i32
    %dma_wait3A_21 = tpu.memref_slice %arg6[%dma_wait3A] : memref<25600xf32, #tpu.memory_space<vmem>> -> memref<12800xf32, #tpu.memory_space<vmem>>
    %dma_wait3A_22 = arith.constant 0 : i32
    %dma_wait3A_23 = tpu.memref_slice %arg8[%dma_wait3A_22] : memref<1000000xf32, #tpu.memory_space<vmem_shared>> -> memref<12800xf32, #tpu.memory_space<vmem_shared>>
    %dma_wait3A_24 = arith.constant 0 : i32
    %dma_wait3A_25 = tpu.memref_slice %arg6[%dma_wait3A_24] : memref<25600xf32, #tpu.memory_space<vmem>> -> memref<12800xf32, #tpu.memory_space<vmem>>
    %dma_wait3A_26 = arith.constant 0 : i32
    %dma_wait3A_27 = tpu.memref_slice %arg8[%dma_wait3A_26] : memref<1000000xf32, #tpu.memory_space<vmem_shared>> -> memref<12800xf32, #tpu.memory_space<vmem_shared>>
    tpu.wait_dma2 semaphore(%arg9 : memref<!tpu.dma_semaphore, #tpu.memory_space<semaphore_mem>>) src(%dma_wait3A_27 : memref<12800xf32, #tpu.memory_space<vmem_shared>>) dst(%dma_wait3A_25 : memref<12800xf32, #tpu.memory_space<vmem>>)
    %broadcast_in_dim3A = arith.constant 0.000000e+00 : f32
    %broadcast_in_dim3A_28 = vector.broadcast %broadcast_in_dim3A : f32 to vector<16xf32>
    %scan3A_29 = arith.constant 0 : i32
    %scan3A_30 = arith.constant 25 : i32
    %scan3A_31 = arith.addi %scan3A_29, %scan3A_30 : i32
    %scan3A_32 = arith.constant 1 : i32
    %scan3A_33 = scf.for %scan3A_263 = %scan3A_29 to %scan3A_31 step %scan3A_32 iter_args(%scan3A_264 = %broadcast_in_dim3A_28) -> (vector<16xf32>)  : i32 {
      %mul3A_265 = arith.constant 4 : i32
      %mul3A_266 = arith.muli %mul3A_265, %scan3A_263 : i32
      %mul3A_267 = arith.constant 128 : i32
      %mul3A_268 = arith.muli %mul3A_266, %mul3A_267 : i32
      %add3A_269 = arith.constant 0 : i32
      %add3A_270 = arith.addi %mul3A_268, %add3A_269 : i32
      %multiple_of3A_271 = tpu.assume_multiple %add3A_270, 8 : i32
      %get3A = arith.index_cast %multiple_of3A_271 : i32 to index
      %get3A_272 = tpu.vector_load %arg6[%get3A] {strides = array<i32>} : memref<25600xf32, #tpu.memory_space<vmem>>, vector<16xf32>,
      %add3A_273 = arith.addf %scan3A_264, %get3A_272 : vector<16xf32>
      %add3A_274 = arith.constant 128 : i32
      %add3A_275 = arith.addi %multiple_of3A_271, %add3A_274 : i32
      %get3A_276 = arith.index_cast %add3A_275 : i32 to index
      %get3A_277 = tpu.vector_load %arg6[%get3A_276] {strides = array<i32>} : memref<25600xf32, #tpu.memory_space<vmem>>, vector<16xf32>,
      %add3A_278 = arith.addf %add3A_273, %get3A_277 : vector<16xf32>
      %add3A_279 = arith.constant 256 : i32
      %add3A_280 = arith.addi %multiple_of3A_271, %add3A_279 : i32
      %get3A_281 = arith.index_cast %add3A_280 : i32 to index
      %get3A_282 = tpu.vector_load %arg6[%get3A_281] {strides = array<i32>} : memref<25600xf32, #tpu.memory_space<vmem>>, vector<16xf32>,
      %add3A_283 = arith.addf %add3A_278, %get3A_282 : vector<16xf32>
      %add3A_284 = arith.constant 384 : i32
      %add3A_285 = arith.addi %multiple_of3A_271, %add3A_284 : i32
      %get3A_286 = arith.index_cast %add3A_285 : i32 to index
      %get3A_287 = tpu.vector_load %arg6[%get3A_286] {strides = array<i32>} : memref<25600xf32, #tpu.memory_space<vmem>>, vector<16xf32>,
      %add3A_288 = arith.addf %add3A_283, %get3A_287 : vector<16xf32>
      scf.yield %add3A_288 : vector<16xf32>
    }
    %scan3A_34 = arith.constant 25 : i32
    %broadcast_in_dim3A_35 = arith.constant 0.000000e+00 : f32
    %broadcast_in_dim3A_36 = vector.broadcast %broadcast_in_dim3A_35 : f32 to vector<16xf32>
    %scan3A_37 = arith.constant 0 : i32
    %scan3A_38 = arith.constant 25 : i32
    %scan3A_39 = arith.addi %scan3A_37, %scan3A_38 : i32
    %scan3A_40 = arith.constant 1 : i32
    %scan3A_41 = scf.for %scan3A_263 = %scan3A_37 to %scan3A_39 step %scan3A_40 iter_args(%scan3A_264 = %broadcast_in_dim3A_36) -> (vector<16xf32>)  : i32 {
      %mul3A_265 = arith.constant 4 : i32
      %mul3A_266 = arith.muli %mul3A_265, %scan3A_263 : i32
      %mul3A_267 = arith.constant 128 : i32
      %mul3A_268 = arith.muli %mul3A_266, %mul3A_267 : i32
      %add3A_269 = arith.constant 16 : i32
      %add3A_270 = arith.addi %mul3A_268, %add3A_269 : i32
      %multiple_of3A_271 = tpu.assume_multiple %add3A_270, 8 : i32
      %get3A = arith.index_cast %multiple_of3A_271 : i32 to index
      %get3A_272 = tpu.vector_load %arg6[%get3A] {strides = array<i32>} : memref<25600xf32, #tpu.memory_space<vmem>>, vector<16xf32>,
      %add3A_273 = arith.addf %scan3A_264, %get3A_272 : vector<16xf32>
      %add3A_274 = arith.constant 128 : i32
      %add3A_275 = arith.addi %multiple_of3A_271, %add3A_274 : i32
      %get3A_276 = arith.index_cast %add3A_275 : i32 to index
      %get3A_277 = tpu.vector_load %arg6[%get3A_276] {strides = array<i32>} : memref<25600xf32, #tpu.memory_space<vmem>>, vector<16xf32>,
      %add3A_278 = arith.addf %add3A_273, %get3A_277 : vector<16xf32>
      %add3A_279 = arith.constant 256 : i32
      %add3A_280 = arith.addi %multiple_of3A_271, %add3A_279 : i32
      %get3A_281 = arith.index_cast %add3A_280 : i32 to index
      %get3A_282 = tpu.vector_load %arg6[%get3A_281] {strides = array<i32>} : memref<25600xf32, #tpu.memory_space<vmem>>, vector<16xf32>,
      %add3A_283 = arith.addf %add3A_278, %get3A_282 : vector<16xf32>
      %add3A_284 = arith.constant 384 : i32
      %add3A_285 = arith.addi %multiple_of3A_271, %add3A_284 : i32
      %get3A_286 = arith.index_cast %add3A_285 : i32 to index
      %get3A_287 = tpu.vector_load %arg6[%get3A_286] {strides = array<i32>} : memref<25600xf32, #tpu.memory_space<vmem>>, vector<16xf32>,
      %add3A_288 = arith.addf %add3A_283, %get3A_287 : vector<16xf32>
      scf.yield %add3A_288 : vector<16xf32>
    }
    %scan3A_42 = arith.constant 25 : i32
    %broadcast_in_dim3A_43 = arith.constant 0.000000e+00 : f32
    %broadcast_in_dim3A_44 = vector.broadcast %broadcast_in_dim3A_43 : f32 to vector<16xf32>
    %scan3A_45 = arith.constant 0 : i32
    %scan3A_46 = arith.constant 25 : i32
    %scan3A_47 = arith.addi %scan3A_45, %scan3A_46 : i32
    %scan3A_48 = arith.constant 1 : i32
    %scan3A_49 = scf.for %scan3A_263 = %scan3A_45 to %scan3A_47 step %scan3A_48 iter_args(%scan3A_264 = %broadcast_in_dim3A_44) -> (vector<16xf32>)  : i32 {
      %mul3A_265 = arith.constant 4 : i32
      %mul3A_266 = arith.muli %mul3A_265, %scan3A_263 : i32
      %mul3A_267 = arith.constant 128 : i32
      %mul3A_268 = arith.muli %mul3A_266, %mul3A_267 : i32
      %add3A_269 = arith.constant 32 : i32
      %add3A_270 = arith.addi %mul3A_268, %add3A_269 : i32
      %multiple_of3A_271 = tpu.assume_multiple %add3A_270, 8 : i32
      %get3A = arith.index_cast %multiple_of3A_271 : i32 to index
      %get3A_272 = tpu.vector_load %arg6[%get3A] {strides = array<i32>} : memref<25600xf32, #tpu.memory_space<vmem>>, vector<16xf32>,
      %add3A_273 = arith.addf %scan3A_264, %get3A_272 : vector<16xf32>
      %add3A_274 = arith.constant 128 : i32
      %add3A_275 = arith.addi %multiple_of3A_271, %add3A_274 : i32
      %get3A_276 = arith.index_cast %add3A_275 : i32 to index
      %get3A_277 = tpu.vector_load %arg6[%get3A_276] {strides = array<i32>} : memref<25600xf32, #tpu.memory_space<vmem>>, vector<16xf32>,
      %add3A_278 = arith.addf %add3A_273, %get3A_277 : vector<16xf32>
      %add3A_279 = arith.constant 256 : i32
      %add3A_280 = arith.addi %multiple_of3A_271, %add3A_279 : i32
      %get3A_281 = arith.index_cast %add3A_280 : i32 to index
      %get3A_282 = tpu.vector_load %arg6[%get3A_281] {strides = array<i32>} : memref<25600xf32, #tpu.memory_space<vmem>>, vector<16xf32>,
      %add3A_283 = arith.addf %add3A_278, %get3A_282 : vector<16xf32>
      %add3A_284 = arith.constant 384 : i32
      %add3A_285 = arith.addi %multiple_of3A_271, %add3A_284 : i32
      %get3A_286 = arith.index_cast %add3A_285 : i32 to index
      %get3A_287 = tpu.vector_load %arg6[%get3A_286] {strides = array<i32>} : memref<25600xf32, #tpu.memory_space<vmem>>, vector<16xf32>,
      %add3A_288 = arith.addf %add3A_283, %get3A_287 : vector<16xf32>
      scf.yield %add3A_288 : vector<16xf32>
    }
    %scan3A_50 = arith.constant 25 : i32
    %broadcast_in_dim3A_51 = arith.constant 0.000000e+00 : f32
    %broadcast_in_dim3A_52 = vector.broadcast %broadcast_in_dim3A_51 : f32 to vector<16xf32>
    %scan3A_53 = arith.constant 0 : i32
    %scan3A_54 = arith.constant 25 : i32
    %scan3A_55 = arith.addi %scan3A_53, %scan3A_54 : i32
    %scan3A_56 = arith.constant 1 : i32
    %scan3A_57 = scf.for %scan3A_263 = %scan3A_53 to %scan3A_55 step %scan3A_56 iter_args(%scan3A_264 = %broadcast_in_dim3A_52) -> (vector<16xf32>)  : i32 {
      %mul3A_265 = arith.constant 4 : i32
      %mul3A_266 = arith.muli %mul3A_265, %scan3A_263 : i32
      %mul3A_267 = arith.constant 128 : i32
      %mul3A_268 = arith.muli %mul3A_266, %mul3A_267 : i32
      %add3A_269 = arith.constant 48 : i32
      %add3A_270 = arith.addi %mul3A_268, %add3A_269 : i32
      %multiple_of3A_271 = tpu.assume_multiple %add3A_270, 8 : i32
      %get3A = arith.index_cast %multiple_of3A_271 : i32 to index
      %get3A_272 = tpu.vector_load %arg6[%get3A] {strides = array<i32>} : memref<25600xf32, #tpu.memory_space<vmem>>, vector<16xf32>,
      %add3A_273 = arith.addf %scan3A_264, %get3A_272 : vector<16xf32>
      %add3A_274 = arith.constant 128 : i32
      %add3A_275 = arith.addi %multiple_of3A_271, %add3A_274 : i32
      %get3A_276 = arith.index_cast %add3A_275 : i32 to index
      %get3A_277 = tpu.vector_load %arg6[%get3A_276] {strides = array<i32>} : memref<25600xf32, #tpu.memory_space<vmem>>, vector<16xf32>,
      %add3A_278 = arith.addf %add3A_273, %get3A_277 : vector<16xf32>
      %add3A_279 = arith.constant 256 : i32
      %add3A_280 = arith.addi %multiple_of3A_271, %add3A_279 : i32
      %get3A_281 = arith.index_cast %add3A_280 : i32 to index
      %get3A_282 = tpu.vector_load %arg6[%get3A_281] {strides = array<i32>} : memref<25600xf32, #tpu.memory_space<vmem>>, vector<16xf32>,
      %add3A_283 = arith.addf %add3A_278, %get3A_282 : vector<16xf32>
      %add3A_284 = arith.constant 384 : i32
      %add3A_285 = arith.addi %multiple_of3A_271, %add3A_284 : i32
      %get3A_286 = arith.index_cast %add3A_285 : i32 to index
      %get3A_287 = tpu.vector_load %arg6[%get3A_286] {strides = array<i32>} : memref<25600xf32, #tpu.memory_space<vmem>>, vector<16xf32>,
      %add3A_288 = arith.addf %add3A_283, %get3A_287 : vector<16xf32>
      scf.yield %add3A_288 : vector<16xf32>
    }
    %scan3A_58 = arith.constant 25 : i32
    %broadcast_in_dim3A_59 = arith.constant 0.000000e+00 : f32
    %broadcast_in_dim3A_60 = vector.broadcast %broadcast_in_dim3A_59 : f32 to vector<16xf32>
    %scan3A_61 = arith.constant 0 : i32
    %scan3A_62 = arith.constant 25 : i32
    %scan3A_63 = arith.addi %scan3A_61, %scan3A_62 : i32
    %scan3A_64 = arith.constant 1 : i32
    %scan3A_65 = scf.for %scan3A_263 = %scan3A_61 to %scan3A_63 step %scan3A_64 iter_args(%scan3A_264 = %broadcast_in_dim3A_60) -> (vector<16xf32>)  : i32 {
      %mul3A_265 = arith.constant 4 : i32
      %mul3A_266 = arith.muli %mul3A_265, %scan3A_263 : i32
      %mul3A_267 = arith.constant 128 : i32
      %mul3A_268 = arith.muli %mul3A_266, %mul3A_267 : i32
      %add3A_269 = arith.constant 64 : i32
      %add3A_270 = arith.addi %mul3A_268, %add3A_269 : i32
      %multiple_of3A_271 = tpu.assume_multiple %add3A_270, 8 : i32
      %get3A = arith.index_cast %multiple_of3A_271 : i32 to index
      %get3A_272 = tpu.vector_load %arg6[%get3A] {strides = array<i32>} : memref<25600xf32, #tpu.memory_space<vmem>>, vector<16xf32>,
      %add3A_273 = arith.addf %scan3A_264, %get3A_272 : vector<16xf32>
      %add3A_274 = arith.constant 128 : i32
      %add3A_275 = arith.addi %multiple_of3A_271, %add3A_274 : i32
      %get3A_276 = arith.index_cast %add3A_275 : i32 to index
      %get3A_277 = tpu.vector_load %arg6[%get3A_276] {strides = array<i32>} : memref<25600xf32, #tpu.memory_space<vmem>>, vector<16xf32>,
      %add3A_278 = arith.addf %add3A_273, %get3A_277 : vector<16xf32>
      %add3A_279 = arith.constant 256 : i32
      %add3A_280 = arith.addi %multiple_of3A_271, %add3A_279 : i32
      %get3A_281 = arith.index_cast %add3A_280 : i32 to index
      %get3A_282 = tpu.vector_load %arg6[%get3A_281] {strides = array<i32>} : memref<25600xf32, #tpu.memory_space<vmem>>, vector<16xf32>,
      %add3A_283 = arith.addf %add3A_278, %get3A_282 : vector<16xf32>
      %add3A_284 = arith.constant 384 : i32
      %add3A_285 = arith.addi %multiple_of3A_271, %add3A_284 : i32
      %get3A_286 = arith.index_cast %add3A_285 : i32 to index
      %get3A_287 = tpu.vector_load %arg6[%get3A_286] {strides = array<i32>} : memref<25600xf32, #tpu.memory_space<vmem>>, vector<16xf32>,
      %add3A_288 = arith.addf %add3A_283, %get3A_287 : vector<16xf32>
      scf.yield %add3A_288 : vector<16xf32>
    }
    %scan3A_66 = arith.constant 25 : i32
    %broadcast_in_dim3A_67 = arith.constant 0.000000e+00 : f32
    %broadcast_in_dim3A_68 = vector.broadcast %broadcast_in_dim3A_67 : f32 to vector<16xf32>
    %scan3A_69 = arith.constant 0 : i32
    %scan3A_70 = arith.constant 25 : i32
    %scan3A_71 = arith.addi %scan3A_69, %scan3A_70 : i32
    %scan3A_72 = arith.constant 1 : i32
    %scan3A_73 = scf.for %scan3A_263 = %scan3A_69 to %scan3A_71 step %scan3A_72 iter_args(%scan3A_264 = %broadcast_in_dim3A_68) -> (vector<16xf32>)  : i32 {
      %mul3A_265 = arith.constant 4 : i32
      %mul3A_266 = arith.muli %mul3A_265, %scan3A_263 : i32
      %mul3A_267 = arith.constant 128 : i32
      %mul3A_268 = arith.muli %mul3A_266, %mul3A_267 : i32
      %add3A_269 = arith.constant 80 : i32
      %add3A_270 = arith.addi %mul3A_268, %add3A_269 : i32
      %multiple_of3A_271 = tpu.assume_multiple %add3A_270, 8 : i32
      %get3A = arith.index_cast %multiple_of3A_271 : i32 to index
      %get3A_272 = tpu.vector_load %arg6[%get3A] {strides = array<i32>} : memref<25600xf32, #tpu.memory_space<vmem>>, vector<16xf32>,
      %add3A_273 = arith.addf %scan3A_264, %get3A_272 : vector<16xf32>
      %add3A_274 = arith.constant 128 : i32
      %add3A_275 = arith.addi %multiple_of3A_271, %add3A_274 : i32
      %get3A_276 = arith.index_cast %add3A_275 : i32 to index
      %get3A_277 = tpu.vector_load %arg6[%get3A_276] {strides = array<i32>} : memref<25600xf32, #tpu.memory_space<vmem>>, vector<16xf32>,
      %add3A_278 = arith.addf %add3A_273, %get3A_277 : vector<16xf32>
      %add3A_279 = arith.constant 256 : i32
      %add3A_280 = arith.addi %multiple_of3A_271, %add3A_279 : i32
      %get3A_281 = arith.index_cast %add3A_280 : i32 to index
      %get3A_282 = tpu.vector_load %arg6[%get3A_281] {strides = array<i32>} : memref<25600xf32, #tpu.memory_space<vmem>>, vector<16xf32>,
      %add3A_283 = arith.addf %add3A_278, %get3A_282 : vector<16xf32>
      %add3A_284 = arith.constant 384 : i32
      %add3A_285 = arith.addi %multiple_of3A_271, %add3A_284 : i32
      %get3A_286 = arith.index_cast %add3A_285 : i32 to index
      %get3A_287 = tpu.vector_load %arg6[%get3A_286] {strides = array<i32>} : memref<25600xf32, #tpu.memory_space<vmem>>, vector<16xf32>,
      %add3A_288 = arith.addf %add3A_283, %get3A_287 : vector<16xf32>
      scf.yield %add3A_288 : vector<16xf32>
    }
    %scan3A_74 = arith.constant 25 : i32
    %broadcast_in_dim3A_75 = arith.constant 0.000000e+00 : f32
    %broadcast_in_dim3A_76 = vector.broadcast %broadcast_in_dim3A_75 : f32 to vector<16xf32>
    %scan3A_77 = arith.constant 0 : i32
    %scan3A_78 = arith.constant 25 : i32
    %scan3A_79 = arith.addi %scan3A_77, %scan3A_78 : i32
    %scan3A_80 = arith.constant 1 : i32
    %scan3A_81 = scf.for %scan3A_263 = %scan3A_77 to %scan3A_79 step %scan3A_80 iter_args(%scan3A_264 = %broadcast_in_dim3A_76) -> (vector<16xf32>)  : i32 {
      %mul3A_265 = arith.constant 4 : i32
      %mul3A_266 = arith.muli %mul3A_265, %scan3A_263 : i32
      %mul3A_267 = arith.constant 128 : i32
      %mul3A_268 = arith.muli %mul3A_266, %mul3A_267 : i32
      %add3A_269 = arith.constant 96 : i32
      %add3A_270 = arith.addi %mul3A_268, %add3A_269 : i32
      %multiple_of3A_271 = tpu.assume_multiple %add3A_270, 8 : i32
      %get3A = arith.index_cast %multiple_of3A_271 : i32 to index
      %get3A_272 = tpu.vector_load %arg6[%get3A] {strides = array<i32>} : memref<25600xf32, #tpu.memory_space<vmem>>, vector<16xf32>,
      %add3A_273 = arith.addf %scan3A_264, %get3A_272 : vector<16xf32>
      %add3A_274 = arith.constant 128 : i32
      %add3A_275 = arith.addi %multiple_of3A_271, %add3A_274 : i32
      %get3A_276 = arith.index_cast %add3A_275 : i32 to index
      %get3A_277 = tpu.vector_load %arg6[%get3A_276] {strides = array<i32>} : memref<25600xf32, #tpu.memory_space<vmem>>, vector<16xf32>,
      %add3A_278 = arith.addf %add3A_273, %get3A_277 : vector<16xf32>
      %add3A_279 = arith.constant 256 : i32
      %add3A_280 = arith.addi %multiple_of3A_271, %add3A_279 : i32
      %get3A_281 = arith.index_cast %add3A_280 : i32 to index
      %get3A_282 = tpu.vector_load %arg6[%get3A_281] {strides = array<i32>} : memref<25600xf32, #tpu.memory_space<vmem>>, vector<16xf32>,
      %add3A_283 = arith.addf %add3A_278, %get3A_282 : vector<16xf32>
      %add3A_284 = arith.constant 384 : i32
      %add3A_285 = arith.addi %multiple_of3A_271, %add3A_284 : i32
      %get3A_286 = arith.index_cast %add3A_285 : i32 to index
      %get3A_287 = tpu.vector_load %arg6[%get3A_286] {strides = array<i32>} : memref<25600xf32, #tpu.memory_space<vmem>>, vector<16xf32>,
      %add3A_288 = arith.addf %add3A_283, %get3A_287 : vector<16xf32>
      scf.yield %add3A_288 : vector<16xf32>
    }
    %scan3A_82 = arith.constant 25 : i32
    %broadcast_in_dim3A_83 = arith.constant 0.000000e+00 : f32
    %broadcast_in_dim3A_84 = vector.broadcast %broadcast_in_dim3A_83 : f32 to vector<16xf32>
    %scan3A_85 = arith.constant 0 : i32
    %scan3A_86 = arith.constant 25 : i32
    %scan3A_87 = arith.addi %scan3A_85, %scan3A_86 : i32
    %scan3A_88 = arith.constant 1 : i32
    %scan3A_89 = scf.for %scan3A_263 = %scan3A_85 to %scan3A_87 step %scan3A_88 iter_args(%scan3A_264 = %broadcast_in_dim3A_84) -> (vector<16xf32>)  : i32 {
      %mul3A_265 = arith.constant 4 : i32
      %mul3A_266 = arith.muli %mul3A_265, %scan3A_263 : i32
      %mul3A_267 = arith.constant 128 : i32
      %mul3A_268 = arith.muli %mul3A_266, %mul3A_267 : i32
      %add3A_269 = arith.constant 112 : i32
      %add3A_270 = arith.addi %mul3A_268, %add3A_269 : i32
      %multiple_of3A_271 = tpu.assume_multiple %add3A_270, 8 : i32
      %get3A = arith.index_cast %multiple_of3A_271 : i32 to index
      %get3A_272 = tpu.vector_load %arg6[%get3A] {strides = array<i32>} : memref<25600xf32, #tpu.memory_space<vmem>>, vector<16xf32>,
      %add3A_273 = arith.addf %scan3A_264, %get3A_272 : vector<16xf32>
      %add3A_274 = arith.constant 128 : i32
      %add3A_275 = arith.addi %multiple_of3A_271, %add3A_274 : i32
      %get3A_276 = arith.index_cast %add3A_275 : i32 to index
      %get3A_277 = tpu.vector_load %arg6[%get3A_276] {strides = array<i32>} : memref<25600xf32, #tpu.memory_space<vmem>>, vector<16xf32>,
      %add3A_278 = arith.addf %add3A_273, %get3A_277 : vector<16xf32>
      %add3A_279 = arith.constant 256 : i32
      %add3A_280 = arith.addi %multiple_of3A_271, %add3A_279 : i32
      %get3A_281 = arith.index_cast %add3A_280 : i32 to index
      %get3A_282 = tpu.vector_load %arg6[%get3A_281] {strides = array<i32>} : memref<25600xf32, #tpu.memory_space<vmem>>, vector<16xf32>,
      %add3A_283 = arith.addf %add3A_278, %get3A_282 : vector<16xf32>
      %add3A_284 = arith.constant 384 : i32
      %add3A_285 = arith.addi %multiple_of3A_271, %add3A_284 : i32
      %get3A_286 = arith.index_cast %add3A_285 : i32 to index
      %get3A_287 = tpu.vector_load %arg6[%get3A_286] {strides = array<i32>} : memref<25600xf32, #tpu.memory_space<vmem>>, vector<16xf32>,
      %add3A_288 = arith.addf %add3A_283, %get3A_287 : vector<16xf32>
      scf.yield %add3A_288 : vector<16xf32>
    }
    %scan3A_90 = arith.constant 25 : i32
    %dma_wait3A_91 = arith.constant 0 : i32
    %dma_wait3A_92 = tpu.memref_slice %arg6[%dma_wait3A_91] : memref<25600xf32, #tpu.memory_space<vmem>> -> memref<12800xf32, #tpu.memory_space<vmem>>
    %dma_wait3A_93 = arith.constant 0 : i32
    %dma_wait3A_94 = tpu.memref_slice %arg8[%dma_wait3A_93] : memref<1000000xf32, #tpu.memory_space<vmem_shared>> -> memref<12800xf32, #tpu.memory_space<vmem_shared>>
    %dma_wait3A_95 = arith.constant 0 : i32
    %dma_wait3A_96 = tpu.memref_slice %arg6[%dma_wait3A_95] : memref<25600xf32, #tpu.memory_space<vmem>> -> memref<12800xf32, #tpu.memory_space<vmem>>
    %dma_wait3A_97 = arith.constant 0 : i32
    %dma_wait3A_98 = tpu.memref_slice %arg8[%dma_wait3A_97] : memref<1000000xf32, #tpu.memory_space<vmem_shared>> -> memref<12800xf32, #tpu.memory_space<vmem_shared>>
    tpu.wait_dma2 semaphore(%arg10 : memref<!tpu.dma_semaphore, #tpu.memory_space<semaphore_mem>>) src(%dma_wait3A_98 : memref<12800xf32, #tpu.memory_space<vmem_shared>>) dst(%dma_wait3A_96 : memref<12800xf32, #tpu.memory_space<vmem>>)
    %scan3A_99 = arith.constant 25 : i32
    %scan3A_100 = arith.constant 25 : i32
    %scan3A_101 = arith.addi %scan3A_99, %scan3A_100 : i32
    %scan3A_102 = arith.constant 1 : i32
    %scan3A_103 = scf.for %scan3A_263 = %scan3A_99 to %scan3A_101 step %scan3A_102 iter_args(%scan3A_264 = %scan3A_33) -> (vector<16xf32>)  : i32 {
      %mul3A_265 = arith.constant 4 : i32
      %mul3A_266 = arith.muli %mul3A_265, %scan3A_263 : i32
      %mul3A_267 = arith.constant 128 : i32
      %mul3A_268 = arith.muli %mul3A_266, %mul3A_267 : i32
      %add3A_269 = arith.constant 0 : i32
      %add3A_270 = arith.addi %mul3A_268, %add3A_269 : i32
      %multiple_of3A_271 = tpu.assume_multiple %add3A_270, 8 : i32
      %get3A = arith.index_cast %multiple_of3A_271 : i32 to index
      %get3A_272 = tpu.vector_load %arg6[%get3A] {strides = array<i32>} : memref<25600xf32, #tpu.memory_space<vmem>>, vector<16xf32>,
      %add3A_273 = arith.addf %scan3A_264, %get3A_272 : vector<16xf32>
      %add3A_274 = arith.constant 128 : i32
      %add3A_275 = arith.addi %multiple_of3A_271, %add3A_274 : i32
      %get3A_276 = arith.index_cast %add3A_275 : i32 to index
      %get3A_277 = tpu.vector_load %arg6[%get3A_276] {strides = array<i32>} : memref<25600xf32, #tpu.memory_space<vmem>>, vector<16xf32>,
      %add3A_278 = arith.addf %add3A_273, %get3A_277 : vector<16xf32>
      %add3A_279 = arith.constant 256 : i32
      %add3A_280 = arith.addi %multiple_of3A_271, %add3A_279 : i32
      %get3A_281 = arith.index_cast %add3A_280 : i32 to index
      %get3A_282 = tpu.vector_load %arg6[%get3A_281] {strides = array<i32>} : memref<25600xf32, #tpu.memory_space<vmem>>, vector<16xf32>,
      %add3A_283 = arith.addf %add3A_278, %get3A_282 : vector<16xf32>
      %add3A_284 = arith.constant 384 : i32
      %add3A_285 = arith.addi %multiple_of3A_271, %add3A_284 : i32
      %get3A_286 = arith.index_cast %add3A_285 : i32 to index
      %get3A_287 = tpu.vector_load %arg6[%get3A_286] {strides = array<i32>} : memref<25600xf32, #tpu.memory_space<vmem>>, vector<16xf32>,
      %add3A_288 = arith.addf %add3A_283, %get3A_287 : vector<16xf32>
      scf.yield %add3A_288 : vector<16xf32>
    }
    %scan3A_104 = arith.constant 25 : i32
    %mul3A_105 = arith.constant 5.000000e-03 : f32
    %mul3A_106 = vector.broadcast %mul3A_105 : f32 to vector<16xf32>
    %mul3A_107 = arith.mulf %scan3A_103, %mul3A_106 : vector<16xf32>
    %neg3A = arith.constant 0.000000e+00 : f32
    %neg3A_108 = vector.broadcast %neg3A : f32 to vector<16xf32>
    %neg3A_109 = arith.subf %neg3A_108, %mul3A_107 : vector<16xf32>
    %exp3A = math.exp %neg3A_109 : vector<16xf32>
    %add3A_110 = arith.constant 1.000000e+00 : f32
    %add3A_111 = vector.broadcast %add3A_110 : f32 to vector<16xf32>
    %add3A_112 = arith.addf %add3A_111, %exp3A : vector<16xf32>
    %div3A = arith.constant 1.000000e+00 : f32
    %div3A_113 = vector.broadcast %div3A : f32 to vector<16xf32>
    %div3A_114 = arith.divf %div3A_113, %add3A_112 : vector<16xf32>
    %swap3A = arith.constant 0 : index
    %swap3A_115 = tpu.vector_load %arg7[%swap3A] {strides = array<i32>} : memref<128xf32, #tpu.memory_space<vmem>>, vector<16xf32>,
    tpu.vector_store %arg7[%swap3A], %div3A_114 {strides = array<i32>} : memref<128xf32, #tpu.memory_space<vmem>>, vector<16xf32>,
    %scan3A_116 = arith.constant 25 : i32
    %scan3A_117 = arith.constant 25 : i32
    %scan3A_118 = arith.addi %scan3A_116, %scan3A_117 : i32
    %scan3A_119 = arith.constant 1 : i32
    %scan3A_120 = scf.for %scan3A_263 = %scan3A_116 to %scan3A_118 step %scan3A_119 iter_args(%scan3A_264 = %scan3A_41) -> (vector<16xf32>)  : i32 {
      %mul3A_265 = arith.constant 4 : i32
      %mul3A_266 = arith.muli %mul3A_265, %scan3A_263 : i32
      %mul3A_267 = arith.constant 128 : i32
      %mul3A_268 = arith.muli %mul3A_266, %mul3A_267 : i32
      %add3A_269 = arith.constant 16 : i32
      %add3A_270 = arith.addi %mul3A_268, %add3A_269 : i32
      %multiple_of3A_271 = tpu.assume_multiple %add3A_270, 8 : i32
      %get3A = arith.index_cast %multiple_of3A_271 : i32 to index
      %get3A_272 = tpu.vector_load %arg6[%get3A] {strides = array<i32>} : memref<25600xf32, #tpu.memory_space<vmem>>, vector<16xf32>,
      %add3A_273 = arith.addf %scan3A_264, %get3A_272 : vector<16xf32>
      %add3A_274 = arith.constant 128 : i32
      %add3A_275 = arith.addi %multiple_of3A_271, %add3A_274 : i32
      %get3A_276 = arith.index_cast %add3A_275 : i32 to index
      %get3A_277 = tpu.vector_load %arg6[%get3A_276] {strides = array<i32>} : memref<25600xf32, #tpu.memory_space<vmem>>, vector<16xf32>,
      %add3A_278 = arith.addf %add3A_273, %get3A_277 : vector<16xf32>
      %add3A_279 = arith.constant 256 : i32
      %add3A_280 = arith.addi %multiple_of3A_271, %add3A_279 : i32
      %get3A_281 = arith.index_cast %add3A_280 : i32 to index
      %get3A_282 = tpu.vector_load %arg6[%get3A_281] {strides = array<i32>} : memref<25600xf32, #tpu.memory_space<vmem>>, vector<16xf32>,
      %add3A_283 = arith.addf %add3A_278, %get3A_282 : vector<16xf32>
      %add3A_284 = arith.constant 384 : i32
      %add3A_285 = arith.addi %multiple_of3A_271, %add3A_284 : i32
      %get3A_286 = arith.index_cast %add3A_285 : i32 to index
      %get3A_287 = tpu.vector_load %arg6[%get3A_286] {strides = array<i32>} : memref<25600xf32, #tpu.memory_space<vmem>>, vector<16xf32>,
      %add3A_288 = arith.addf %add3A_283, %get3A_287 : vector<16xf32>
      scf.yield %add3A_288 : vector<16xf32>
    }
    %scan3A_121 = arith.constant 25 : i32
    %mul3A_122 = arith.constant 5.000000e-03 : f32
    %mul3A_123 = vector.broadcast %mul3A_122 : f32 to vector<16xf32>
    %mul3A_124 = arith.mulf %scan3A_120, %mul3A_123 : vector<16xf32>
    %neg3A_125 = arith.constant 0.000000e+00 : f32
    %neg3A_126 = vector.broadcast %neg3A_125 : f32 to vector<16xf32>
    %neg3A_127 = arith.subf %neg3A_126, %mul3A_124 : vector<16xf32>
    %exp3A_128 = math.exp %neg3A_127 : vector<16xf32>
    %add3A_129 = arith.constant 1.000000e+00 : f32
    %add3A_130 = vector.broadcast %add3A_129 : f32 to vector<16xf32>
    %add3A_131 = arith.addf %add3A_130, %exp3A_128 : vector<16xf32>
    %div3A_132 = arith.constant 1.000000e+00 : f32
    %div3A_133 = vector.broadcast %div3A_132 : f32 to vector<16xf32>
    %div3A_134 = arith.divf %div3A_133, %add3A_131 : vector<16xf32>
    %swap3A_135 = arith.constant 16 : index
    %swap3A_136 = tpu.vector_load %arg7[%swap3A_135] {strides = array<i32>} : memref<128xf32, #tpu.memory_space<vmem>>, vector<16xf32>,
    tpu.vector_store %arg7[%swap3A_135], %div3A_134 {strides = array<i32>} : memref<128xf32, #tpu.memory_space<vmem>>, vector<16xf32>,
    %scan3A_137 = arith.constant 25 : i32
    %scan3A_138 = arith.constant 25 : i32
    %scan3A_139 = arith.addi %scan3A_137, %scan3A_138 : i32
    %scan3A_140 = arith.constant 1 : i32
    %scan3A_141 = scf.for %scan3A_263 = %scan3A_137 to %scan3A_139 step %scan3A_140 iter_args(%scan3A_264 = %scan3A_49) -> (vector<16xf32>)  : i32 {
      %mul3A_265 = arith.constant 4 : i32
      %mul3A_266 = arith.muli %mul3A_265, %scan3A_263 : i32
      %mul3A_267 = arith.constant 128 : i32
      %mul3A_268 = arith.muli %mul3A_266, %mul3A_267 : i32
      %add3A_269 = arith.constant 32 : i32
      %add3A_270 = arith.addi %mul3A_268, %add3A_269 : i32
      %multiple_of3A_271 = tpu.assume_multiple %add3A_270, 8 : i32
      %get3A = arith.index_cast %multiple_of3A_271 : i32 to index
      %get3A_272 = tpu.vector_load %arg6[%get3A] {strides = array<i32>} : memref<25600xf32, #tpu.memory_space<vmem>>, vector<16xf32>,
      %add3A_273 = arith.addf %scan3A_264, %get3A_272 : vector<16xf32>
      %add3A_274 = arith.constant 128 : i32
      %add3A_275 = arith.addi %multiple_of3A_271, %add3A_274 : i32
      %get3A_276 = arith.index_cast %add3A_275 : i32 to index
      %get3A_277 = tpu.vector_load %arg6[%get3A_276] {strides = array<i32>} : memref<25600xf32, #tpu.memory_space<vmem>>, vector<16xf32>,
      %add3A_278 = arith.addf %add3A_273, %get3A_277 : vector<16xf32>
      %add3A_279 = arith.constant 256 : i32
      %add3A_280 = arith.addi %multiple_of3A_271, %add3A_279 : i32
      %get3A_281 = arith.index_cast %add3A_280 : i32 to index
      %get3A_282 = tpu.vector_load %arg6[%get3A_281] {strides = array<i32>} : memref<25600xf32, #tpu.memory_space<vmem>>, vector<16xf32>,
      %add3A_283 = arith.addf %add3A_278, %get3A_282 : vector<16xf32>
      %add3A_284 = arith.constant 384 : i32
      %add3A_285 = arith.addi %multiple_of3A_271, %add3A_284 : i32
      %get3A_286 = arith.index_cast %add3A_285 : i32 to index
      %get3A_287 = tpu.vector_load %arg6[%get3A_286] {strides = array<i32>} : memref<25600xf32, #tpu.memory_space<vmem>>, vector<16xf32>,
      %add3A_288 = arith.addf %add3A_283, %get3A_287 : vector<16xf32>
      scf.yield %add3A_288 : vector<16xf32>
    }
    %scan3A_142 = arith.constant 25 : i32
    %mul3A_143 = arith.constant 5.000000e-03 : f32
    %mul3A_144 = vector.broadcast %mul3A_143 : f32 to vector<16xf32>
    %mul3A_145 = arith.mulf %scan3A_141, %mul3A_144 : vector<16xf32>
    %neg3A_146 = arith.constant 0.000000e+00 : f32
    %neg3A_147 = vector.broadcast %neg3A_146 : f32 to vector<16xf32>
    %neg3A_148 = arith.subf %neg3A_147, %mul3A_145 : vector<16xf32>
    %exp3A_149 = math.exp %neg3A_148 : vector<16xf32>
    %add3A_150 = arith.constant 1.000000e+00 : f32
    %add3A_151 = vector.broadcast %add3A_150 : f32 to vector<16xf32>
    %add3A_152 = arith.addf %add3A_151, %exp3A_149 : vector<16xf32>
    %div3A_153 = arith.constant 1.000000e+00 : f32
    %div3A_154 = vector.broadcast %div3A_153 : f32 to vector<16xf32>
    %div3A_155 = arith.divf %div3A_154, %add3A_152 : vector<16xf32>
    %swap3A_156 = arith.constant 32 : index
    %swap3A_157 = tpu.vector_load %arg7[%swap3A_156] {strides = array<i32>} : memref<128xf32, #tpu.memory_space<vmem>>, vector<16xf32>,
    tpu.vector_store %arg7[%swap3A_156], %div3A_155 {strides = array<i32>} : memref<128xf32, #tpu.memory_space<vmem>>, vector<16xf32>,
    %scan3A_158 = arith.constant 25 : i32
    %scan3A_159 = arith.constant 25 : i32
    %scan3A_160 = arith.addi %scan3A_158, %scan3A_159 : i32
    %scan3A_161 = arith.constant 1 : i32
    %scan3A_162 = scf.for %scan3A_263 = %scan3A_158 to %scan3A_160 step %scan3A_161 iter_args(%scan3A_264 = %scan3A_57) -> (vector<16xf32>)  : i32 {
      %mul3A_265 = arith.constant 4 : i32
      %mul3A_266 = arith.muli %mul3A_265, %scan3A_263 : i32
      %mul3A_267 = arith.constant 128 : i32
      %mul3A_268 = arith.muli %mul3A_266, %mul3A_267 : i32
      %add3A_269 = arith.constant 48 : i32
      %add3A_270 = arith.addi %mul3A_268, %add3A_269 : i32
      %multiple_of3A_271 = tpu.assume_multiple %add3A_270, 8 : i32
      %get3A = arith.index_cast %multiple_of3A_271 : i32 to index
      %get3A_272 = tpu.vector_load %arg6[%get3A] {strides = array<i32>} : memref<25600xf32, #tpu.memory_space<vmem>>, vector<16xf32>,
      %add3A_273 = arith.addf %scan3A_264, %get3A_272 : vector<16xf32>
      %add3A_274 = arith.constant 128 : i32
      %add3A_275 = arith.addi %multiple_of3A_271, %add3A_274 : i32
      %get3A_276 = arith.index_cast %add3A_275 : i32 to index
      %get3A_277 = tpu.vector_load %arg6[%get3A_276] {strides = array<i32>} : memref<25600xf32, #tpu.memory_space<vmem>>, vector<16xf32>,
      %add3A_278 = arith.addf %add3A_273, %get3A_277 : vector<16xf32>
      %add3A_279 = arith.constant 256 : i32
      %add3A_280 = arith.addi %multiple_of3A_271, %add3A_279 : i32
      %get3A_281 = arith.index_cast %add3A_280 : i32 to index
      %get3A_282 = tpu.vector_load %arg6[%get3A_281] {strides = array<i32>} : memref<25600xf32, #tpu.memory_space<vmem>>, vector<16xf32>,
      %add3A_283 = arith.addf %add3A_278, %get3A_282 : vector<16xf32>
      %add3A_284 = arith.constant 384 : i32
      %add3A_285 = arith.addi %multiple_of3A_271, %add3A_284 : i32
      %get3A_286 = arith.index_cast %add3A_285 : i32 to index
      %get3A_287 = tpu.vector_load %arg6[%get3A_286] {strides = array<i32>} : memref<25600xf32, #tpu.memory_space<vmem>>, vector<16xf32>,
      %add3A_288 = arith.addf %add3A_283, %get3A_287 : vector<16xf32>
      scf.yield %add3A_288 : vector<16xf32>
    }
    %scan3A_163 = arith.constant 25 : i32
    %mul3A_164 = arith.constant 5.000000e-03 : f32
    %mul3A_165 = vector.broadcast %mul3A_164 : f32 to vector<16xf32>
    %mul3A_166 = arith.mulf %scan3A_162, %mul3A_165 : vector<16xf32>
    %neg3A_167 = arith.constant 0.000000e+00 : f32
    %neg3A_168 = vector.broadcast %neg3A_167 : f32 to vector<16xf32>
    %neg3A_169 = arith.subf %neg3A_168, %mul3A_166 : vector<16xf32>
    %exp3A_170 = math.exp %neg3A_169 : vector<16xf32>
    %add3A_171 = arith.constant 1.000000e+00 : f32
    %add3A_172 = vector.broadcast %add3A_171 : f32 to vector<16xf32>
    %add3A_173 = arith.addf %add3A_172, %exp3A_170 : vector<16xf32>
    %div3A_174 = arith.constant 1.000000e+00 : f32
    %div3A_175 = vector.broadcast %div3A_174 : f32 to vector<16xf32>
    %div3A_176 = arith.divf %div3A_175, %add3A_173 : vector<16xf32>
    %swap3A_177 = arith.constant 48 : index
    %swap3A_178 = tpu.vector_load %arg7[%swap3A_177] {strides = array<i32>} : memref<128xf32, #tpu.memory_space<vmem>>, vector<16xf32>,
    tpu.vector_store %arg7[%swap3A_177], %div3A_176 {strides = array<i32>} : memref<128xf32, #tpu.memory_space<vmem>>, vector<16xf32>,
    %scan3A_179 = arith.constant 25 : i32
    %scan3A_180 = arith.constant 25 : i32
    %scan3A_181 = arith.addi %scan3A_179, %scan3A_180 : i32
    %scan3A_182 = arith.constant 1 : i32
    %scan3A_183 = scf.for %scan3A_263 = %scan3A_179 to %scan3A_181 step %scan3A_182 iter_args(%scan3A_264 = %scan3A_65) -> (vector<16xf32>)  : i32 {
      %mul3A_265 = arith.constant 4 : i32
      %mul3A_266 = arith.muli %mul3A_265, %scan3A_263 : i32
      %mul3A_267 = arith.constant 128 : i32
      %mul3A_268 = arith.muli %mul3A_266, %mul3A_267 : i32
      %add3A_269 = arith.constant 64 : i32
      %add3A_270 = arith.addi %mul3A_268, %add3A_269 : i32
      %multiple_of3A_271 = tpu.assume_multiple %add3A_270, 8 : i32
      %get3A = arith.index_cast %multiple_of3A_271 : i32 to index
      %get3A_272 = tpu.vector_load %arg6[%get3A] {strides = array<i32>} : memref<25600xf32, #tpu.memory_space<vmem>>, vector<16xf32>,
      %add3A_273 = arith.addf %scan3A_264, %get3A_272 : vector<16xf32>
      %add3A_274 = arith.constant 128 : i32
      %add3A_275 = arith.addi %multiple_of3A_271, %add3A_274 : i32
      %get3A_276 = arith.index_cast %add3A_275 : i32 to index
      %get3A_277 = tpu.vector_load %arg6[%get3A_276] {strides = array<i32>} : memref<25600xf32, #tpu.memory_space<vmem>>, vector<16xf32>,
      %add3A_278 = arith.addf %add3A_273, %get3A_277 : vector<16xf32>
      %add3A_279 = arith.constant 256 : i32
      %add3A_280 = arith.addi %multiple_of3A_271, %add3A_279 : i32
      %get3A_281 = arith.index_cast %add3A_280 : i32 to index
      %get3A_282 = tpu.vector_load %arg6[%get3A_281] {strides = array<i32>} : memref<25600xf32, #tpu.memory_space<vmem>>, vector<16xf32>,
      %add3A_283 = arith.addf %add3A_278, %get3A_282 : vector<16xf32>
      %add3A_284 = arith.constant 384 : i32
      %add3A_285 = arith.addi %multiple_of3A_271, %add3A_284 : i32
      %get3A_286 = arith.index_cast %add3A_285 : i32 to index
      %get3A_287 = tpu.vector_load %arg6[%get3A_286] {strides = array<i32>} : memref<25600xf32, #tpu.memory_space<vmem>>, vector<16xf32>,
      %add3A_288 = arith.addf %add3A_283, %get3A_287 : vector<16xf32>
      scf.yield %add3A_288 : vector<16xf32>
    }
    %scan3A_184 = arith.constant 25 : i32
    %mul3A_185 = arith.constant 5.000000e-03 : f32
    %mul3A_186 = vector.broadcast %mul3A_185 : f32 to vector<16xf32>
    %mul3A_187 = arith.mulf %scan3A_183, %mul3A_186 : vector<16xf32>
    %neg3A_188 = arith.constant 0.000000e+00 : f32
    %neg3A_189 = vector.broadcast %neg3A_188 : f32 to vector<16xf32>
    %neg3A_190 = arith.subf %neg3A_189, %mul3A_187 : vector<16xf32>
    %exp3A_191 = math.exp %neg3A_190 : vector<16xf32>
    %add3A_192 = arith.constant 1.000000e+00 : f32
    %add3A_193 = vector.broadcast %add3A_192 : f32 to vector<16xf32>
    %add3A_194 = arith.addf %add3A_193, %exp3A_191 : vector<16xf32>
    %div3A_195 = arith.constant 1.000000e+00 : f32
    %div3A_196 = vector.broadcast %div3A_195 : f32 to vector<16xf32>
    %div3A_197 = arith.divf %div3A_196, %add3A_194 : vector<16xf32>
    %swap3A_198 = arith.constant 64 : index
    %swap3A_199 = tpu.vector_load %arg7[%swap3A_198] {strides = array<i32>} : memref<128xf32, #tpu.memory_space<vmem>>, vector<16xf32>,
    tpu.vector_store %arg7[%swap3A_198], %div3A_197 {strides = array<i32>} : memref<128xf32, #tpu.memory_space<vmem>>, vector<16xf32>,
    %scan3A_200 = arith.constant 25 : i32
    %scan3A_201 = arith.constant 25 : i32
    %scan3A_202 = arith.addi %scan3A_200, %scan3A_201 : i32
    %scan3A_203 = arith.constant 1 : i32
    %scan3A_204 = scf.for %scan3A_263 = %scan3A_200 to %scan3A_202 step %scan3A_203 iter_args(%scan3A_264 = %scan3A_73) -> (vector<16xf32>)  : i32 {
      %mul3A_265 = arith.constant 4 : i32
      %mul3A_266 = arith.muli %mul3A_265, %scan3A_263 : i32
      %mul3A_267 = arith.constant 128 : i32
      %mul3A_268 = arith.muli %mul3A_266, %mul3A_267 : i32
      %add3A_269 = arith.constant 80 : i32
      %add3A_270 = arith.addi %mul3A_268, %add3A_269 : i32
      %multiple_of3A_271 = tpu.assume_multiple %add3A_270, 8 : i32
      %get3A = arith.index_cast %multiple_of3A_271 : i32 to index
      %get3A_272 = tpu.vector_load %arg6[%get3A] {strides = array<i32>} : memref<25600xf32, #tpu.memory_space<vmem>>, vector<16xf32>,
      %add3A_273 = arith.addf %scan3A_264, %get3A_272 : vector<16xf32>
      %add3A_274 = arith.constant 128 : i32
      %add3A_275 = arith.addi %multiple_of3A_271, %add3A_274 : i32
      %get3A_276 = arith.index_cast %add3A_275 : i32 to index
      %get3A_277 = tpu.vector_load %arg6[%get3A_276] {strides = array<i32>} : memref<25600xf32, #tpu.memory_space<vmem>>, vector<16xf32>,
      %add3A_278 = arith.addf %add3A_273, %get3A_277 : vector<16xf32>
      %add3A_279 = arith.constant 256 : i32
      %add3A_280 = arith.addi %multiple_of3A_271, %add3A_279 : i32
      %get3A_281 = arith.index_cast %add3A_280 : i32 to index
      %get3A_282 = tpu.vector_load %arg6[%get3A_281] {strides = array<i32>} : memref<25600xf32, #tpu.memory_space<vmem>>, vector<16xf32>,
      %add3A_283 = arith.addf %add3A_278, %get3A_282 : vector<16xf32>
      %add3A_284 = arith.constant 384 : i32
      %add3A_285 = arith.addi %multiple_of3A_271, %add3A_284 : i32
      %get3A_286 = arith.index_cast %add3A_285 : i32 to index
      %get3A_287 = tpu.vector_load %arg6[%get3A_286] {strides = array<i32>} : memref<25600xf32, #tpu.memory_space<vmem>>, vector<16xf32>,
      %add3A_288 = arith.addf %add3A_283, %get3A_287 : vector<16xf32>
      scf.yield %add3A_288 : vector<16xf32>
    }
    %scan3A_205 = arith.constant 25 : i32
    %mul3A_206 = arith.constant 5.000000e-03 : f32
    %mul3A_207 = vector.broadcast %mul3A_206 : f32 to vector<16xf32>
    %mul3A_208 = arith.mulf %scan3A_204, %mul3A_207 : vector<16xf32>
    %neg3A_209 = arith.constant 0.000000e+00 : f32
    %neg3A_210 = vector.broadcast %neg3A_209 : f32 to vector<16xf32>
    %neg3A_211 = arith.subf %neg3A_210, %mul3A_208 : vector<16xf32>
    %exp3A_212 = math.exp %neg3A_211 : vector<16xf32>
    %add3A_213 = arith.constant 1.000000e+00 : f32
    %add3A_214 = vector.broadcast %add3A_213 : f32 to vector<16xf32>
    %add3A_215 = arith.addf %add3A_214, %exp3A_212 : vector<16xf32>
    %div3A_216 = arith.constant 1.000000e+00 : f32
    %div3A_217 = vector.broadcast %div3A_216 : f32 to vector<16xf32>
    %div3A_218 = arith.divf %div3A_217, %add3A_215 : vector<16xf32>
    %swap3A_219 = arith.constant 80 : index
    %swap3A_220 = tpu.vector_load %arg7[%swap3A_219] {strides = array<i32>} : memref<128xf32, #tpu.memory_space<vmem>>, vector<16xf32>,
    tpu.vector_store %arg7[%swap3A_219], %div3A_218 {strides = array<i32>} : memref<128xf32, #tpu.memory_space<vmem>>, vector<16xf32>,
    %scan3A_221 = arith.constant 25 : i32
    %scan3A_222 = arith.constant 25 : i32
    %scan3A_223 = arith.addi %scan3A_221, %scan3A_222 : i32
    %scan3A_224 = arith.constant 1 : i32
    %scan3A_225 = scf.for %scan3A_263 = %scan3A_221 to %scan3A_223 step %scan3A_224 iter_args(%scan3A_264 = %scan3A_81) -> (vector<16xf32>)  : i32 {
      %mul3A_265 = arith.constant 4 : i32
      %mul3A_266 = arith.muli %mul3A_265, %scan3A_263 : i32
      %mul3A_267 = arith.constant 128 : i32
      %mul3A_268 = arith.muli %mul3A_266, %mul3A_267 : i32
      %add3A_269 = arith.constant 96 : i32
      %add3A_270 = arith.addi %mul3A_268, %add3A_269 : i32
      %multiple_of3A_271 = tpu.assume_multiple %add3A_270, 8 : i32
      %get3A = arith.index_cast %multiple_of3A_271 : i32 to index
      %get3A_272 = tpu.vector_load %arg6[%get3A] {strides = array<i32>} : memref<25600xf32, #tpu.memory_space<vmem>>, vector<16xf32>,
      %add3A_273 = arith.addf %scan3A_264, %get3A_272 : vector<16xf32>
      %add3A_274 = arith.constant 128 : i32
      %add3A_275 = arith.addi %multiple_of3A_271, %add3A_274 : i32
      %get3A_276 = arith.index_cast %add3A_275 : i32 to index
      %get3A_277 = tpu.vector_load %arg6[%get3A_276] {strides = array<i32>} : memref<25600xf32, #tpu.memory_space<vmem>>, vector<16xf32>,
      %add3A_278 = arith.addf %add3A_273, %get3A_277 : vector<16xf32>
      %add3A_279 = arith.constant 256 : i32
      %add3A_280 = arith.addi %multiple_of3A_271, %add3A_279 : i32
      %get3A_281 = arith.index_cast %add3A_280 : i32 to index
      %get3A_282 = tpu.vector_load %arg6[%get3A_281] {strides = array<i32>} : memref<25600xf32, #tpu.memory_space<vmem>>, vector<16xf32>,
      %add3A_283 = arith.addf %add3A_278, %get3A_282 : vector<16xf32>
      %add3A_284 = arith.constant 384 : i32
      %add3A_285 = arith.addi %multiple_of3A_271, %add3A_284 : i32
      %get3A_286 = arith.index_cast %add3A_285 : i32 to index
      %get3A_287 = tpu.vector_load %arg6[%get3A_286] {strides = array<i32>} : memref<25600xf32, #tpu.memory_space<vmem>>, vector<16xf32>,
      %add3A_288 = arith.addf %add3A_283, %get3A_287 : vector<16xf32>
      scf.yield %add3A_288 : vector<16xf32>
    }
    %scan3A_226 = arith.constant 25 : i32
    %mul3A_227 = arith.constant 5.000000e-03 : f32
    %mul3A_228 = vector.broadcast %mul3A_227 : f32 to vector<16xf32>
    %mul3A_229 = arith.mulf %scan3A_225, %mul3A_228 : vector<16xf32>
    %neg3A_230 = arith.constant 0.000000e+00 : f32
    %neg3A_231 = vector.broadcast %neg3A_230 : f32 to vector<16xf32>
    %neg3A_232 = arith.subf %neg3A_231, %mul3A_229 : vector<16xf32>
    %exp3A_233 = math.exp %neg3A_232 : vector<16xf32>
    %add3A_234 = arith.constant 1.000000e+00 : f32
    %add3A_235 = vector.broadcast %add3A_234 : f32 to vector<16xf32>
    %add3A_236 = arith.addf %add3A_235, %exp3A_233 : vector<16xf32>
    %div3A_237 = arith.constant 1.000000e+00 : f32
    %div3A_238 = vector.broadcast %div3A_237 : f32 to vector<16xf32>
    %div3A_239 = arith.divf %div3A_238, %add3A_236 : vector<16xf32>
    %swap3A_240 = arith.constant 96 : index
    %swap3A_241 = tpu.vector_load %arg7[%swap3A_240] {strides = array<i32>} : memref<128xf32, #tpu.memory_space<vmem>>, vector<16xf32>,
    tpu.vector_store %arg7[%swap3A_240], %div3A_239 {strides = array<i32>} : memref<128xf32, #tpu.memory_space<vmem>>, vector<16xf32>,
    %scan3A_242 = arith.constant 25 : i32
    %scan3A_243 = arith.constant 25 : i32
    %scan3A_244 = arith.addi %scan3A_242, %scan3A_243 : i32
    %scan3A_245 = arith.constant 1 : i32
    %scan3A_246 = scf.for %scan3A_263 = %scan3A_242 to %scan3A_244 step %scan3A_245 iter_args(%scan3A_264 = %scan3A_89) -> (vector<16xf32>)  : i32 {
      %mul3A_265 = arith.constant 4 : i32
      %mul3A_266 = arith.muli %mul3A_265, %scan3A_263 : i32
      %mul3A_267 = arith.constant 128 : i32
      %mul3A_268 = arith.muli %mul3A_266, %mul3A_267 : i32
      %add3A_269 = arith.constant 112 : i32
      %add3A_270 = arith.addi %mul3A_268, %add3A_269 : i32
      %multiple_of3A_271 = tpu.assume_multiple %add3A_270, 8 : i32
      %get3A = arith.index_cast %multiple_of3A_271 : i32 to index
      %get3A_272 = tpu.vector_load %arg6[%get3A] {strides = array<i32>} : memref<25600xf32, #tpu.memory_space<vmem>>, vector<16xf32>,
      %add3A_273 = arith.addf %scan3A_264, %get3A_272 : vector<16xf32>
      %add3A_274 = arith.constant 128 : i32
      %add3A_275 = arith.addi %multiple_of3A_271, %add3A_274 : i32
      %get3A_276 = arith.index_cast %add3A_275 : i32 to index
      %get3A_277 = tpu.vector_load %arg6[%get3A_276] {strides = array<i32>} : memref<25600xf32, #tpu.memory_space<vmem>>, vector<16xf32>,
      %add3A_278 = arith.addf %add3A_273, %get3A_277 : vector<16xf32>
      %add3A_279 = arith.constant 256 : i32
      %add3A_280 = arith.addi %multiple_of3A_271, %add3A_279 : i32
      %get3A_281 = arith.index_cast %add3A_280 : i32 to index
      %get3A_282 = tpu.vector_load %arg6[%get3A_281] {strides = array<i32>} : memref<25600xf32, #tpu.memory_space<vmem>>, vector<16xf32>,
      %add3A_283 = arith.addf %add3A_278, %get3A_282 : vector<16xf32>
      %add3A_284 = arith.constant 384 : i32
      %add3A_285 = arith.addi %multiple_of3A_271, %add3A_284 : i32
      %get3A_286 = arith.index_cast %add3A_285 : i32 to index
      %get3A_287 = tpu.vector_load %arg6[%get3A_286] {strides = array<i32>} : memref<25600xf32, #tpu.memory_space<vmem>>, vector<16xf32>,
      %add3A_288 = arith.addf %add3A_283, %get3A_287 : vector<16xf32>
      scf.yield %add3A_288 : vector<16xf32>
    }
    %scan3A_247 = arith.constant 25 : i32
    %mul3A_248 = arith.constant 5.000000e-03 : f32
    %mul3A_249 = vector.broadcast %mul3A_248 : f32 to vector<16xf32>
    %mul3A_250 = arith.mulf %scan3A_246, %mul3A_249 : vector<16xf32>
    %neg3A_251 = arith.constant 0.000000e+00 : f32
    %neg3A_252 = vector.broadcast %neg3A_251 : f32 to vector<16xf32>
    %neg3A_253 = arith.subf %neg3A_252, %mul3A_250 : vector<16xf32>
    %exp3A_254 = math.exp %neg3A_253 : vector<16xf32>
    %add3A_255 = arith.constant 1.000000e+00 : f32
    %add3A_256 = vector.broadcast %add3A_255 : f32 to vector<16xf32>
    %add3A_257 = arith.addf %add3A_256, %exp3A_254 : vector<16xf32>
    %div3A_258 = arith.constant 1.000000e+00 : f32
    %div3A_259 = vector.broadcast %div3A_258 : f32 to vector<16xf32>
    %div3A_260 = arith.divf %div3A_259, %add3A_257 : vector<16xf32>
    %swap3A_261 = arith.constant 112 : index
    %swap3A_262 = tpu.vector_load %arg7[%swap3A_261] {strides = array<i32>} : memref<128xf32, #tpu.memory_space<vmem>>, vector<16xf32>,
    tpu.vector_store %arg7[%swap3A_261], %div3A_260 {strides = array<i32>} : memref<128xf32, #tpu.memory_space<vmem>>, vector<16xf32>,
    "tpu.region"() ({
      %run_scoped3A = tpu.sem_alloc : memref<!tpu.dma_semaphore, #tpu.memory_space<semaphore_mem>>
      %dma_start3A = tpu.memref_slice %arg4[%multiple_of3A] : memref<4096xf32, #tpu.memory_space<hbm>> -> memref<128xf32, #tpu.memory_space<hbm>>
      %dma_start3A_263 = tpu.memref_slice %arg4[%multiple_of3A] : memref<4096xf32, #tpu.memory_space<hbm>> -> memref<128xf32, #tpu.memory_space<hbm>>
      tpu.enqueue_dma source(%arg7 : memref<128xf32, #tpu.memory_space<vmem>>) target(%dma_start3A_263 : memref<128xf32, #tpu.memory_space<hbm>>) target_semaphore(%run_scoped3A : memref<!tpu.dma_semaphore, #tpu.memory_space<semaphore_mem>>)
      %dma_wait3A_264 = tpu.memref_slice %arg4[%multiple_of3A] : memref<4096xf32, #tpu.memory_space<hbm>> -> memref<128xf32, #tpu.memory_space<hbm>>
      %dma_wait3A_265 = tpu.memref_slice %arg4[%multiple_of3A] : memref<4096xf32, #tpu.memory_space<hbm>> -> memref<128xf32, #tpu.memory_space<hbm>>
      tpu.wait_dma2 semaphore(%run_scoped3A : memref<!tpu.dma_semaphore, #tpu.memory_space<semaphore_mem>>) src(%arg7 : memref<128xf32, #tpu.memory_space<vmem>>) dst(%dma_wait3A_265 : memref<128xf32, #tpu.memory_space<hbm>>)
      tpu.yield
    }) : () -> ()
    return
  }
}

module attributes {stable_mosaic.version = 14 : i64} {
  func.func @_tc_body(%arg0: i32, %arg1: memref<1x64xf32, #tpu.memory_space<vmem>>, %arg2: memref<1x1xf32, #tpu.memory_space<vmem>>, %arg3: memref<64x32768xf32, #tpu.memory_space<vmem>>, %arg4: memref<32768xf32, #tpu.memory_space<vmem>>) attributes {dimension_semantics = [#tpu.dimension_semantics<arbitrary>], iteration_bounds = array<i64: 31>, scalar_prefetch = 0 : i64, scratch_operands = 0 : i64, tpu.core_type = #tpu.core_type<tc>, window_params = [{pipeline_mode = #tpu.pipeline_mode<synchronous>, transform_indices = @transform_0, window_bounds = array<i64: 1, 64>}, {pipeline_mode = #tpu.pipeline_mode<synchronous>, transform_indices = @transform_1, window_bounds = array<i64: 1, 1>}, {transform_indices = @transform_2, window_bounds = array<i64: 64, 32768>}, {transform_indices = @transform_3, window_bounds = array<i64: 32768>}]} {
    %get3A = arith.constant 0 : index
    %get3A_0 = arith.constant 0 : index
    %get3A_1 = vector.load %arg1[%get3A, %get3A_0] : memref<1x64xf32, #tpu.memory_space<vmem>>, vector<1x64xf32>
    %get3A_2 = arith.constant 0 : index
    %get3A_3 = arith.constant 0 : index
    %get3A_4 = vector.load %arg3[%get3A_2, %get3A_3] : memref<64x32768xf32, #tpu.memory_space<vmem>>, vector<64x32768xf32>
    %dot_general3A = arith.constant dense<0.000000e+00> : vector<1x32768xf32>
    %dot_general3A_5 = tpu.matmul %get3A_1, %get3A_4, %dot_general3A {dimension_numbers = #tpu.dot_dimension_numbers<[1], [0], [0], [1], [0, 0, 1, 1], [], []>, transpose_lhs_hint = false} : vector<1x64xf32>, vector<64x32768xf32>, vector<1x32768xf32> -> vector<1x32768xf32>
    %squeeze3A = vector.shape_cast %dot_general3A_5 : vector<1x32768xf32> to vector<32768xf32>
    %get3A_6 = arith.constant 0 : index
    %get3A_7 = arith.constant 0 : index
    %get3A_8 = vector.load %arg2[%get3A_6, %get3A_7] : memref<1x1xf32, #tpu.memory_space<vmem>>, vector<1x1xf32>
    %get3A_9 = vector.extract %get3A_8[0, 0] : f32 from vector<1x1xf32>
    %add3A = vector.broadcast %get3A_9 : f32 to vector<32768xf32>
    %add3A_10 = arith.addf %squeeze3A, %add3A : vector<32768xf32>
    %swap3A = arith.constant 0 : index
    %swap3A_11 = vector.load %arg4[%swap3A] : memref<32768xf32, #tpu.memory_space<vmem>>, vector<32768xf32>
    tpu.vector_store %arg4[%swap3A], %add3A_10 {strides = array<i32>} : memref<32768xf32, #tpu.memory_space<vmem>>, vector<32768xf32>,
    return
  }
  func.func @transform_0(%arg0: i32) -> (i32, i32) {
    %c0_i32 = arith.constant 0 : i32
    %c0_i32_0 = arith.constant 0 : i32
    %c0_i32_1 = arith.constant 0 : i32
    return %c0_i32, %c0_i32_0 : i32, i32
  }
  func.func @transform_1(%arg0: i32) -> (i32, i32) {
    %c0_i32 = arith.constant 0 : i32
    %c0_i32_0 = arith.constant 0 : i32
    %c0_i32_1 = arith.constant 0 : i32
    return %c0_i32, %c0_i32_0 : i32, i32
  }
  func.func @transform_2(%arg0: i32) -> (i32, i32) {
    %c0_i32 = arith.constant 0 : i32
    %c0_i32_0 = arith.constant 0 : i32
    return %c0_i32, %arg0 : i32, i32
  }
  func.func @transform_3(%arg0: i32) -> i32 {
    %c0_i32 = arith.constant 0 : i32
    return %arg0 : i32
  }
}

</mosaic_0001>

<sc_bundles>
// kernel: kernel.4.cloned.1.call-start
scs
__scs_entry_jumppad:
0x0: {  	(pc) =	sbr.rel $0x88, $3  }
0x1: {  	(tag) =	ssettag $0x0;
	lr =	simm.s32 $0x1  }
0x2: {  	[smem:$0x3F9D] =	sst lr;
	_ =	strace $0xD0000000  }
0x3: {  	_ = 	snop  }
0x4: {  	_ = 	snop  }
0x5: {  	_ = 	snop  }
0x6: {  	_ = 	snop  }
0x7: {  	_ = 	snop  }
__scs_overlays_trampoline_lowered:
0x8: {  	[smem:$0x3FAC] =	sst s0  }
0x9: {  	[smem:$0x3FAD] =	sst s1  }
0xa: {  	[smem:$0x3FAE] =	sst s2  }
0xb: {  	[smem:$0x3FAF] =	sst s3  }
0xc: {  	[smem:$0x3FB0] =	sst s4  }
0xd: {  	[smem:$0x3FB1] =	sst s5  }
0xe: {  	[smem:$0x3FB2] =	sst s6  }
0xf: {  	[smem:$0x3FB3] =	sst s7  }
0x10: {  	[smem:$0x3FB4] =	sst s8  }
0x11: {  	[smem:$0x3FB5] =	sst s9;
	s0 =	simm.s32 @!p0 $0x0  }
0x12: {  	s1 =	sld [smem:$0x3F9B];
	s0 =	simm.s32 @p0 $0x1  }
0x13: {  	[smem:$0x3FB6] =	sst s0;
	s0 =	simm.s32 @!p1 $0x0  }
0x14: {  	s2 =	sld [smem:$0x3F9A];
	s0 =	simm.s32 @p1 $0x1  }
0x15: {  	[smem:$0x3FB7] =	sst s0;
	s0 =	simm.s32 @!p2 $0x0  }
0x16: {  	s3 =	sld [smem:$0x3FDB];
	s0 =	simm.s32 @p2 $0x1  }
0x17: {  	s4 =	simm.s32 $0x1BF5;
	[smem:$0x3FB9] =	sst s0  }
0x18: {  	s0 =	sld [smem:$0x3F9C];
	_ =	swait.ge [sflag:s4], $0x0  }
0x19: {  	s7 =	sld [smem:$0x3F9D]  }
0x1a: {  	s8 =	sadd.s32 $0xFFFFE003, lr  }
0x1b: {  	s9 =	sadd.s32 $0xFFFFFEF7, lr;
	s5 =	simm.s32 $0xFFFFFFFF;
	p2 =	slt.u32 s8, $0xFFFFF086  }
0x1c: {  	p1 =	slt.u32 s9, $0xF7A;
	s5 =	simm.s32 @!p2 $0x0  }
0x1d: {  	s5 =	simm.s32 @p1 $0x1;
	p0 =	seq.s32 s7, s2  }
0x1e: {  	s7 =	smul.u32 @!p0 $0xF7A, s2;
	p2 =	seq.s32 @!p0 s5, $0x0  }
0x1f: {  	s9 =	smul.u32 $0xF7A, s1;
	s8 =	simm.s32 @!p0 $0x1BF5;
	p2 =	por !p2, p0  }
0x20: {  	[sflag:s8] =	ssyncset.s32 @!p0 $0xFFFFF086;
	s6 =	sadd.s32 @!p0 s3, s7;
	s7 =	simm.s32 @!p0 $0x108  }
0x21: {  	s3 =	sadd.s32 s3, s9;
	s6 =	sadd.s32 @!p0 $0x88, s6;
	s7 =	simm.s32 @p2 $0x1082  }
0x22: {  	[simem:s7], [sflag:s8] =	dma.local @!p0 [hbm:s6], $0xF7A  }
0x23: {  	s9 =	sor.u32 $0xD0000000, s2;
	s6 =	simm.s32 $0x108;
	_ =	swait.ge @!p0 [sflag:s8], $0x0  }
0x24: {  	s3 =	sadd.s32 $0x88, s3;
	s6 =	simm.s32 @!p1 $0x1082;
	[sflag:s4] =	ssyncset.s32 $0xFFFFF086  }
0x25: {  	[simem:s6], [sflag:s4] =	dma.local [hbm:s3], $0xF7A  }
0x26: {  	[smem:$0x3F9D] =	sst s1;
	(tag) =	ssettag s2;
	_ =	strace s9  }
0x27: {  	s1 =	sld [smem:$0x3FAD]  }
0x28: {  	s2 =	sld [smem:$0x3FAE]  }
0x29: {  	s4 =	sld [smem:$0x3FB0]  }
0x2a: {  	p0 =	seq.s32 s5, $0x0;
	s5 =	sld [smem:$0x3FB1]  }
0x2b: {  	s6 =	sld [smem:$0x3FB2]  }
0x2c: {  	s7 =	sld [smem:$0x3FB3]  }
0x2d: {  	s3 =	simm.s32 $0x108;
	s8 =	sld [smem:$0x3FB4]  }
0x2e: {  	s3 =	simm.s32 @!p0 $0x1082;
	s9 =	sld [smem:$0x3FB5]  }
0x2f: {  	lr =	sadd.s32 s0, s3;
	s0 =	sld [smem:$0x3FAC]  }
0x30: {  	s3 =	sld [smem:$0x3FAF]  }
0x31: {  	[smem:$0x3FB8] =	sst s10  }
0x32: {  	s10 =	sld [smem:$0x3FB6];
	_ =	sdelay $0x3  }
0x33: {  	p0 =	seq.s32 s10, $0x1;
	s10 =	sld [smem:$0x3FB8];
	_ =	sdelay $0x3  }
0x34: {  	[smem:$0x3FB8] =	sst s10  }
0x35: {  	s10 =	sld [smem:$0x3FB7];
	_ =	sdelay $0x3  }
0x36: {  	p1 =	seq.s32 s10, $0x1;
	s10 =	sld [smem:$0x3FB8];
	_ =	sdelay $0x3  }
0x37: {  	[smem:$0x3FB8] =	sst s10  }
0x38: {  	s10 =	sld [smem:$0x3FB9]  }
0x39: {  	_ = 	snop;
	(pc) =	sbr.ind lr, $3  }
0x3a: {  	_ = 	snop  }
0x3b: {  	_ = 	snop  }
0x3c: {  	p2 =	seq.s32 s10, $0x1;
	s10 =	sld [smem:$0x3FB8]  }
0x3d: {  	_ =	shalt  }
0x3e: {  	_ =	shalt  }
0x3f: {  	_ =	shalt  }
0x40: {  	_ =	shalt  }
0x41: {  	_ =	shalt  }
0x42: {  	_ =	shalt  }
0x43: {  	_ =	shalt  }
0x44: {  	_ =	shalt  }
0x45: {  	_ =	shalt  }
0x46: {  	_ =	shalt  }
0x47: {  	_ =	shalt  }
0x48: {  	_ =	shalt  }
0x49: {  	_ =	shalt  }
0x4a: {  	_ =	shalt  }
0x4b: {  	_ =	shalt  }
0x4c: {  	_ =	shalt  }
0x4d: {  	_ =	shalt  }
0x4e: {  	_ =	shalt  }
0x4f: {  	_ =	shalt  }
0x50: {  	_ =	shalt  }
0x51: {  	_ =	shalt  }
0x52: {  	_ =	shalt  }
0x53: {  	_ =	shalt  }
0x54: {  	_ =	shalt  }
0x55: {  	_ =	shalt  }
0x56: {  	_ =	shalt  }
0x57: {  	_ =	shalt  }
0x58: {  	_ =	shalt  }
0x59: {  	_ =	shalt  }
0x5a: {  	_ =	shalt  }
0x5b: {  	_ =	shalt  }
0x5c: {  	_ =	shalt  }
0x5d: {  	_ =	shalt  }
0x5e: {  	_ =	shalt  }
0x5f: {  	_ =	shalt  }
0x60: {  	_ =	shalt  }
0x61: {  	_ =	shalt  }
0x62: {  	_ =	shalt  }
0x63: {  	_ =	shalt  }
0x64: {  	_ =	shalt  }
0x65: {  	_ =	shalt  }
0x66: {  	_ =	shalt  }
0x67: {  	_ =	shalt  }
0x68: {  	_ =	shalt  }
0x69: {  	_ =	shalt  }
0x6a: {  	_ =	shalt  }
0x6b: {  	_ =	shalt  }
0x6c: {  	_ =	shalt  }
0x6d: {  	_ =	shalt  }
0x6e: {  	_ =	shalt  }
0x6f: {  	_ =	shalt  }
0x70: {  	_ =	shalt  }
0x71: {  	_ =	shalt  }
0x72: {  	_ =	shalt  }
0x73: {  	_ =	shalt  }
0x74: {  	_ =	shalt  }
0x75: {  	_ =	shalt  }
0x76: {  	_ =	shalt  }
0x77: {  	_ =	shalt  }
0x78: {  	_ =	shalt  }
0x79: {  	_ =	shalt  }
0x7a: {  	_ =	shalt  }
0x7b: {  	_ =	shalt  }
0x7c: {  	_ =	shalt  }
0x7d: {  	_ =	shalt  }
0x7e: {  	_ =	shalt  }
0x7f: {  	_ =	shalt  }
0x80: {  	_ =	shalt  }
0x81: {  	_ =	shalt  }
0x82: {  	_ =	shalt  }
0x83: {  	_ =	shalt  }
0x84: {  	_ =	shalt  }
0x85: {  	_ =	shalt  }
0x86: {  	_ =	shalt  }
0x87: {  	_ =	shalt  }
.Lfunc_end0:
.L_simem_size_0:
called_computation_lowered:
.L_overlay_start_0:
0x88: {  	s2 =	sld [smem:$0x3FD9]  }
0x89: {  	s3 =	sld [smem:$0x3FFE];
	_ =	sdelay $0x1  }
0x8a: {  	s1 =	srdreg.scid  }
0x8b: {  	s0 =	sand.u32 $0x1, s1  }
0x8c: {  	s17 =	sshll.u32 s0, $0xA;
	s2 =	sadd.s32 s3, s2  }
0x8d: {  	s2 =	sadd.s32 s2, s17  }
0x8e: {  	[smem:$0x3FC4] =	sst s2  }
0x8f: {  	_ = 	snop  }
0x90: {  	s2 =	sld [smem:$0x3FD0];
	(tm) =	ssettm $0x1  }
0x91: {  	s18 =	sld [smem:$0x3FFB];
	_ =	sdelay $0x3  }
0x92: {  	_ =	strace s18  }
0x93: {  	s3 =	sld [smem:$0x3FFC];
	_ =	sdelay $0x3  }
0x94: {  	_ =	strace s3  }
0x95: {  	s3 =	sld [smem:$0x3FFD];
	_ =	sdelay $0x3  }
0x96: {  	_ =	strace s3  }
0x97: {  	_ =	strace $0x8FFFFFFF  }
0x98: {  	s19 =	sld [smem:$0x3FDB];
	_ =	sdelay $0x1  }
0x99: {  	s4 =	simm.s32 $_scs_section_size  }
0x9a: {  	s5 =	simm.s32 $_size__tile_overlayer_lowered;
	s6 =	simm.s32 $_tile_overlayer_lowered  }
0x9b: {  	s22 =	simm.s32 $0x1BFF;
	s21 =	sshll.u32 s6, $0x1;
	s3 =	sadd.s32 s4, s19  }
0x9c: {  	s7 =	simm.s32 $0x0;
	s20 =	sshll.u32 s5, $0x1;
	s5 =	sadd.s32 s21, s3  }
0x9d: {  	[timem:s7], [sflag:s22] =	dma.local [hbm:s5], s20  }
0x9e: {  	_ =	swait.ge [sflag:s22], s20  }
0x9f: {  	s4 =	ssub.s32 $0x0, s20;
	[sflag:s22] =	ssyncset.done $0x0  }
0xa0: {  	[sflag:s22] =	ssyncadd.s32 s4;
	_ =	sdelay $0x1  }
0xa1: {  	s23 =	simm.s32 $0x1B8B  }
0xa2: {  	_ =	swait.ge [sflag:s23], $0x1  }
0xa3: {  	[sflag:s23] =	ssyncset.done $0x0  }
0xa4: {  	s25 =	simm.s32 $0x1B8E;
	s24 =	sld [smem:$0x3FFE];
	[sflag:s23] =	ssyncadd.s32 $0xFFFFFFFF  }
0xa5: {  	s26 =	simm.s32 $execute0_lowered;
	[smem:$0x3FD2] =	sst s25  }
0xa6: {  	s5 =	sshll.u32 s26, $0x1;
	_ =	strace $0x80000046;
	[dreg:$0x1] =	wrdreg $0xFFFFFFFF  }
0xa7: {  	s28 =	simm.s32 $_size_execute0_lowered;
	s3 =	sadd.s32 s3, s5;
	[dreg:$0x0] =	wrdreg $0x0  }
0xa8: {  	s5 =	sshll.u32 s28, $0x1;
	[dreg:$0x2] =	wrdreg s3  }
0xa9: {  	[dreg:$0x3] =	wrdreg s5  }
0xaa: {  	[dreg:$0x4] =	wrdreg $0xC0  }
0xab: {  	_ =	task [dreg:s7], $0x5FFFF  }
0xac: {  	[dreg:$0x1] =	wrdreg $0xFFFFFFFF  }
0xad: {  	[dreg:$0x0] =	wrdreg $0x60  }
0xae: {  	[dreg:$0x2] =	wrdreg s24  }
0xaf: {  	[dreg:$0x3] =	wrdreg s2  }
0xb0: {  	[dreg:$0x4] =	wrdreg $0xC8800  }
0xb1: {  	[dreg:$0x5] =	wrdreg $0x9  }
0xb2: {  	_ =	task.clear_ibuf [dreg:s7], $0x6FFFF;
	_ =	strace $0x90000046  }
0xb3: {  	s29 =	simm.s32 $0x9;
	_ =	strace $0x80000048  }
0xb4: {  	_ =	swait.ge [sflag:s29], $0x1  }
0xb5: {  	[sflag:s29] =	ssyncadd.s32 $0xFFFFFFFF  }
0xb6: {  	_ =	strace $0x90000048  }
0xb7: {  	_ =	sfence  }
0xb8: {  	s30 =	sld [smem:$0x0];
	_ =	sdelay $0x2  }
0xb9: {  	s31 =	sshll.u32 s1, $0xD;
	s1 =	sshrl.u32 s1, $0x2  }
0xba: {  	s3 =	sand.u32 $0x4000, s31;
	s1 =	sadd.s32 s1, s30  }
0xbb: {  	s0 =	sor.u32 s3, s0;
	s1 =	sshll.u32 s1, $0x11  }
0xbc: {  	s0 =	sor.u32 s1, s0  }
0xbd: {  	s0 =	sadd.s32 $0x8F2B, s0  }
0xbe: {  	[sflag:s0] =	ssyncadd.remote.s32 $0x1  }
0xbf: {  	_ =	sfence.sel $0xFFFF  }
0xc0: {  	[dreg:$0x0] =	wrdreg $0xFFFFFFFF;
	(pc) =	sbr.abs _section_cstart, $3  }
0xc1: {  	[dreg:$0x1] =	wrdreg $0xFFFFFFFF  }
0xc2: {  	_ =	task.clear_ibuf [dreg:s7], $0x2FFFF;
	_ =	strace $0x9FFFFFFF  }
0xc3: {  	(tm) =	ssettm $0x7FFFFFFF  }
tec
execute0_lowered:
.L_overlay_start_1:
0x0: {  	(tag) =	ssettag $0x1  }
0x1: {  	s0 =	rddreg [dreg:$0x0]  }
0x2: {  	s5 =	rddreg [dreg:$0x1];
	s2 =	srdreg.scid  }
0x3: {  	s6 =	stileid.u32;
	s1 =	rddreg [dreg:$0x2]  }
0x4: {  	s21 =	simm.s32 $0x8600;
	s22 =	simm.s32 $0x2400;
	s23 =	simm.s32 $0x8800  }
0x5: {  	s24 =	simm.s32 $0x2600;
	s25 =	simm.s32 $0x8A00;
	s28 =	simm.s32 $0x8C00  }
0x6: {  	s29 =	simm.s32 $0x2A00;
	s30 =	simm.s32 $0x8E00;
	s31 =	simm.s32 $0x2C00  }
0x7: {  	s10 =	simm.s32 $0x2E00;
	s11 =	simm.s32 $0x9200;
	s12 =	simm.s32 $0x3000  }
0x8: {  	s13 =	simm.s32 $0x9400;
	s14 =	simm.s32 $0x1;
	s15 =	simm.s32 $0x2  }
0x9: {  	s16 =	simm.s32 $0xC800;
	s17 =	simm.s32 $0x0;
	s3 =	sand.u32 $0x1, s2  }
0xa: {  	s4 =	sshll.u32 s6, $0x1;
	s2 =	simm.s32 $0x0;
	p0 =	sne.s32 s6, $0x0  }
0xb: {  	s7 =	sor.u32 s3, s4;
	[smem:$0x7FF] =	sst s2;
	s8 =	ssub.s32 $0x2, s3  }
0xc: {  	s3 =	sadd.s32 $0x19A00, s0;
	s4 =	smul.u32 $0xC80, s7;
	s9 =	sshrl.u32 s8, $0x1  }
0xd: {  	_ =	strace $0x80000047;
	s7 =	sshll.u32 s7, $0x4;
	s26 =	ssub.s32 s8, s9  }
0xe: {  	s5 =	sadd.s32 s5, s7;
	s7 =	sshrl.u32 @!p0 s1, $0x3;
	s8 =	simm.s32 $0x3  }
0xf: {  	s9 =	simm.s32 $0x200;
	s4 =	sadd.s32 s4, s0;
	s6 =	smax.u32 s26, $0x1  }
0x10: {  	s26 =	simm.s32 $0x2800;
	s0 =	simm.s32 $0x9000;
	s4 =	sadd.s32 $0xA00, s4  }
.LBB2_1:
0x11: {  	s18 =	simm.s32 @!p0 $0x1C01  }
0x12: {  	[spmem:s7], [sflag:s18] =	dma.local @!p0 [hbm:s3], $0x1E848  }
0x13: {  	[tilespmem:s2], [sflag:$0x3] =	stream.linear.gather [hbm4b:s4+s2], $0x6400, $0x38;
	[tilespmem:$0x1BCA8] =	vst v63  }
0x14: {  	_ =	swait.ge [sflag:s8], $0x6400  }
0x15: {  	[sflag:s8] =	ssyncset.done $0x0  }
0x16: {  	s18 =	simm.s32 @!p0 $0x1;
	[sflag:s8] =	ssyncadd.s32 $0xFFFF9C00  }
0x17: {  	_ =	swait.ge @!p0 [sflag:s18], $0x1E848  }
0x18: {  	[sflag:s18] =	ssyncset.done @!p0 $0x0  }
0x19: {  	[sflag:s18] =	ssyncadd.s32 @!p0 $0xFFFE17B8  }
0x1a: {  	s20 =	simm.s32 $0x6400;
	[bflag:$0x0] =	sbarrier.arrive $0xFFFF  }
0x1b: {  	[tilespmem:s20], [sflag:$0x1] =	stream.indirect.gather [spmem:s1], $0x1, s2, s9, $0xb8;
	[tilespmem:$0x1BCA8] =	vst v63  }
0x1c: {  	s19 =	simm.s32 $0x6600  }
0x1d: {  	[tilespmem:s19], [sflag:$0x1] =	stream.indirect.gather [spmem:s1], $0x1, s9, s9, $0xb8;
	[tilespmem:$0x1BCA8] =	vst v63  }
0x1e: {  	s20 =	simm.s32 $0x400;
	s19 =	simm.s32 $0x6800  }
0x1f: {  	[tilespmem:s19], [sflag:$0x1] =	stream.indirect.gather [spmem:s1], $0x1, s20, s9, $0xb8;
	[tilespmem:$0x1BCA8] =	vst v63  }
0x20: {  	s19 =	simm.s32 $0x600;
	s20 =	simm.s32 $0x6A00  }
0x21: {  	[tilespmem:s20], [sflag:$0x1] =	stream.indirect.gather [spmem:s1], $0x1, s19, s9, $0xb8;
	[tilespmem:$0x1BCA8] =	vst v63  }
0x22: {  	s19 =	simm.s32 $0x800;
	s20 =	simm.s32 $0x6C00  }
0x23: {  	[tilespmem:s20], [sflag:$0x1] =	stream.indirect.gather [spmem:s1], $0x1, s19, s9, $0xb8;
	[tilespmem:$0x1BCA8] =	vst v63  }
0x24: {  	s19 =	simm.s32 $0xA00;
	s20 =	simm.s32 $0x6E00  }
0x25: {  	[tilespmem:s20], [sflag:$0x1] =	stream.indirect.gather [spmem:s1], $0x1, s19, s9, $0xb8;
	[tilespmem:$0x1BCA8] =	vst v63  }
0x26: {  	s19 =	simm.s32 $0xC00;
	s20 =	simm.s32 $0x7000  }
0x27: {  	[tilespmem:s20], [sflag:$0x1] =	stream.indirect.gather [spmem:s1], $0x1, s19, s9, $0xb8;
	[tilespmem:$0x1BCA8] =	vst v63  }
0x28: {  	s19 =	simm.s32 $0xE00;
	s20 =	simm.s32 $0x7200  }
0x29: {  	[tilespmem:s20], [sflag:$0x1] =	stream.indirect.gather [spmem:s1], $0x1, s19, s9, $0xb8;
	[tilespmem:$0x1BCA8] =	vst v63  }
0x2a: {  	s19 =	simm.s32 $0x1000;
	s20 =	simm.s32 $0x7400  }
0x2b: {  	[tilespmem:s20], [sflag:$0x1] =	stream.indirect.gather [spmem:s1], $0x1, s19, s9, $0xb8;
	[tilespmem:$0x1BCA8] =	vst v63  }
0x2c: {  	s19 =	simm.s32 $0x1200;
	s20 =	simm.s32 $0x7600  }
0x2d: {  	[tilespmem:s20], [sflag:$0x1] =	stream.indirect.gather [spmem:s1], $0x1, s19, s9, $0xb8;
	[tilespmem:$0x1BCA8] =	vst v63  }
0x2e: {  	s19 =	simm.s32 $0x1400;
	s20 =	simm.s32 $0x7800  }
0x2f: {  	[tilespmem:s20], [sflag:$0x1] =	stream.indirect.gather [spmem:s1], $0x1, s19, s9, $0xb8;
	[tilespmem:$0x1BCA8] =	vst v63  }
0x30: {  	s19 =	simm.s32 $0x1600;
	s20 =	simm.s32 $0x7A00  }
0x31: {  	[tilespmem:s20], [sflag:$0x1] =	stream.indirect.gather [spmem:s1], $0x1, s19, s9, $0xb8;
	[tilespmem:$0x1BCA8] =	vst v63  }
0x32: {  	s19 =	simm.s32 $0x1800;
	s20 =	simm.s32 $0x7C00  }
0x33: {  	[tilespmem:s20], [sflag:$0x1] =	stream.indirect.gather [spmem:s1], $0x1, s19, s9, $0xb8;
	[tilespmem:$0x1BCA8] =	vst v63  }
0x34: {  	s19 =	simm.s32 $0x1A00;
	s20 =	simm.s32 $0x7E00  }
0x35: {  	[tilespmem:s20], [sflag:$0x1] =	stream.indirect.gather [spmem:s1], $0x1, s19, s9, $0xb8;
	[tilespmem:$0x1BCA8] =	vst v63  }
0x36: {  	s19 =	simm.s32 $0x1C00;
	s20 =	simm.s32 $0x8000  }
0x37: {  	[tilespmem:s20], [sflag:$0x1] =	stream.indirect.gather [spmem:s1], $0x1, s19, s9, $0xb8;
	[tilespmem:$0x1BCA8] =	vst v63  }
0x38: {  	s19 =	simm.s32 $0x1E00;
	s20 =	simm.s32 $0x8200  }
0x39: {  	[tilespmem:s20], [sflag:$0x1] =	stream.indirect.gather [spmem:s1], $0x1, s19, s9, $0xb8;
	[tilespmem:$0x1BCA8] =	vst v63  }
0x3a: {  	s19 =	simm.s32 $0x2000;
	s20 =	simm.s32 $0x8400  }
0x3b: {  	[tilespmem:s20], [sflag:$0x1] =	stream.indirect.gather [spmem:s1], $0x1, s19, s9, $0xb8;
	[tilespmem:$0x1BCA8] =	vst v63  }
0x3c: {  	s20 =	simm.s32 $0x2200  }
0x3d: {  	[tilespmem:s21], [sflag:$0x1] =	stream.indirect.gather [spmem:s1], $0x1, s20, s9, $0xb8;
	[tilespmem:$0x1BCA8] =	vst v63  }
0x3e: {  	_ = 	snop  }
0x3f: {  	[tilespmem:s23], [sflag:$0x1] =	stream.indirect.gather [spmem:s1], $0x1, s22, s9, $0xb8;
	[tilespmem:$0x1BCA8] =	vst v63  }
0x40: {  	_ = 	snop  }
0x41: {  	[tilespmem:s25], [sflag:$0x1] =	stream.indirect.gather [spmem:s1], $0x1, s24, s9, $0xb8;
	[tilespmem:$0x1BCA8] =	vst v63  }
0x42: {  	_ = 	snop  }
0x43: {  	[tilespmem:s28], [sflag:$0x1] =	stream.indirect.gather [spmem:s1], $0x1, s26, s9, $0xb8;
	[tilespmem:$0x1BCA8] =	vst v63  }
0x44: {  	_ = 	snop  }
0x45: {  	[tilespmem:s30], [sflag:$0x1] =	stream.indirect.gather [spmem:s1], $0x1, s29, s9, $0xb8;
	[tilespmem:$0x1BCA8] =	vst v63  }
0x46: {  	_ = 	snop  }
0x47: {  	[tilespmem:s0], [sflag:$0x1] =	stream.indirect.gather [spmem:s1], $0x1, s31, s9, $0xb8;
	[tilespmem:$0x1BCA8] =	vst v63  }
0x48: {  	_ = 	snop  }
0x49: {  	[tilespmem:s11], [sflag:$0x1] =	stream.indirect.gather [spmem:s1], $0x1, s10, s9, $0xb8;
	[tilespmem:$0x1BCA8] =	vst v63  }
0x4a: {  	s18 =	simm.s32 $0x800;
	s19 =	simm.s32 $0x9600;
	s20 =	simm.s32 $0x3200  }
0x4b: {  	[tilespmem:s13], [sflag:$0x1] =	stream.indirect.gather [spmem:s1], $0x1, s12, s9, $0xb8;
	[tilespmem:$0x1BCA8] =	vst v63  }
.LBB2_2:
0x4c: {  	[tilespmem:s19], [sflag:$0x2] =	stream.indirect.gather [spmem:s1], $0x1, s20, s9, $0xb8;
	[tilespmem:$0x1BCA8] =	vst v63  }
0x4d: {  	s19 =	smov.u32 s18;
	p1 =	sne.s32 s18, $0xC000  }
.Ltmp0:
0x4e: {  	s18 =	sadd.s32 $0x800, s18;
	(pc) =	sbr.rel @p1 .LBB2_2-.Ltmp0, $3  }
0x4f: {  	_ =	sdelay $0x1  }
0x50: {  	s20 =	sshra.s32 s19, $0x2  }
0x51: {  	s19 =	sadd.s32 $0x9600, s20;
	s20 =	sadd.s32 $0x3200, s20  }
0x52: {  	[tilespmem:s19], [sflag:$0x2] =	stream.indirect.gather [spmem:s1], $0x1, s20, s9, $0xb8;
	[tilespmem:$0x1BCA8] =	vst v63  }
0x53: {  	_ =	swait.ge [sflag:s14], $0x3200  }
0x54: {  	[sflag:s14] =	ssyncset.done $0x0  }
0x55: {  	s18 =	simm.s32 $0x0;
	[sflag:s14] =	ssyncadd.s32 $0xFFFFCE00  }
0x56: {  	v1 =	vld [tilespmem:s18+$0x6400];
	_ =	sdelay $0x1  }
0x57: {  	v3 =	vld [tilespmem:s18+$0x6480];
	_ =	sdelay $0x1  }
0x58: {  	v0 =	vimm.f32 $0.0e+00;
	v2 =	vld [tilespmem:s18+$0x6500]  }
0x59: {  	v4 =	vadd.f32 v1, v0  }
0x5a: {  	v1 =	vld [tilespmem:s18+$0x6580]  }
0x5b: {  	s19 =	simm.s32 $0x200;
	s20 =	simm.s32 $0x1000;
	v3 =	vadd.f32 v3, v4  }
.LBB2_4:
0x5c: {  	p1 =	sne.s32 s20, $0xC000;
	v4 =	vld [tilespmem:s19+$0x6400]  }
0x5d: {  	v2 =	vadd.f32 v2, v3  }
0x5e: {  	v3 =	vld [tilespmem:s19+$0x6480]  }
.Ltmp1:
0x5f: {  	v1 =	vadd.f32 v1, v2;
	(pc) =	sbr.rel @p1 .LBB2_4-.Ltmp1, $4  }
0x60: {  	v2 =	vld [tilespmem:s19+$0x6500]  }
0x61: {  	v4 =	vadd.f32 v4, v1  }
0x62: {  	v1 =	vld [tilespmem:s19+$0x6580]  }
0x63: {  	s19 =	sshra.s32 s20, $0x2;
	s20 =	sadd.s32 $0x800, s20;
	v3 =	vadd.f32 v3, v4  }
0x64: {  	v4 =	vld [tilespmem:s19+$0x6400]  }
0x65: {  	v2 =	vadd.f32 v2, v3  }
0x66: {  	v3 =	vld [tilespmem:s19+$0x6480]  }
0x67: {  	v1 =	vadd.f32 v1, v2  }
0x68: {  	v2 =	vld [tilespmem:s19+$0x6500]  }
0x69: {  	v5 =	vld [tilespmem:s18+$0x6410];
	v1 =	vadd.f32 v4, v1  }
0x6a: {  	v4 =	vld [tilespmem:s19+$0x6580]  }
0x6b: {  	v6 =	vld [tilespmem:s18+$0x6490];
	v1 =	vadd.f32 v3, v1;
	_ =	sdelay $0x1  }
0x6c: {  	v2 =	vadd.f32 v2, v1;
	v1 =	vld [tilespmem:s18+$0x6510]  }
0x6d: {  	v3 =	vadd.f32 v5, v0  }
0x6e: {  	v0 =	vadd.f32 v4, v2;
	v2 =	vld [tilespmem:s18+$0x6590]  }
0x6f: {  	s19 =	simm.s32 $0x200;
	v3 =	vadd.f32 v6, v3;
	s18 =	simm.s32 $0x1000  }
.LBB2_6:
0x70: {  	p1 =	sne.s32 s18, $0xC000;
	v4 =	vld [tilespmem:s19+$0x6410]  }
0x71: {  	v1 =	vadd.f32 v1, v3  }
0x72: {  	v3 =	vld [tilespmem:s19+$0x6490]  }
.Ltmp2:
0x73: {  	v2 =	vadd.f32 v2, v1;
	(pc) =	sbr.rel @p1 .LBB2_6-.Ltmp2, $4  }
0x74: {  	v1 =	vld [tilespmem:s19+$0x6510]  }
0x75: {  	v4 =	vadd.f32 v4, v2  }
0x76: {  	v2 =	vld [tilespmem:s19+$0x6590]  }
0x77: {  	s19 =	sshra.s32 s18, $0x2;
	s18 =	sadd.s32 $0x800, s18;
	v3 =	vadd.f32 v3, v4  }
0x78: {  	v4 =	vld [tilespmem:s19+$0x6410]  }
0x79: {  	v1 =	vadd.f32 v1, v3  }
0x7a: {  	v3 =	vld [tilespmem:s19+$0x6490]  }
0x7b: {  	v1 =	vadd.f32 v2, v1  }
0x7c: {  	s18 =	simm.s32 $0x0;
	v2 =	vld [tilespmem:s19+$0x6510]  }
0x7d: {  	v5 =	vld [tilespmem:s18+$0x6420];
	v1 =	vadd.f32 v4, v1  }
0x7e: {  	v4 =	vld [tilespmem:s19+$0x6590]  }
0x7f: {  	v7 =	vld [tilespmem:s18+$0x64A0];
	v3 =	vadd.f32 v3, v1;
	_ =	sdelay $0x1  }
0x80: {  	v1 =	vimm.f32 $0.0e+00;
	v3 =	vadd.f32 v2, v3;
	v2 =	vld [tilespmem:s18+$0x6520]  }
0x81: {  	v5 =	vadd.f32 v5, v1  }
0x82: {  	v6 =	vadd.f32 v4, v3;
	v3 =	vld [tilespmem:s18+$0x65A0]  }
0x83: {  	s20 =	simm.s32 $0x1000;
	s19 =	simm.s32 $0x200;
	v4 =	vadd.f32 v7, v5  }
.LBB2_8:
0x84: {  	p1 =	sne.s32 s20, $0xC000;
	v5 =	vld [tilespmem:s19+$0x6420]  }
0x85: {  	v2 =	vadd.f32 v2, v4  }
0x86: {  	v4 =	vld [tilespmem:s19+$0x64A0]  }
.Ltmp3:
0x87: {  	v3 =	vadd.f32 v3, v2;
	(pc) =	sbr.rel @p1 .LBB2_8-.Ltmp3, $4  }
0x88: {  	v2 =	vld [tilespmem:s19+$0x6520]  }
0x89: {  	v5 =	vadd.f32 v5, v3  }
0x8a: {  	v3 =	vld [tilespmem:s19+$0x65A0]  }
0x8b: {  	s19 =	sshra.s32 s20, $0x2;
	s20 =	sadd.s32 $0x800, s20;
	v4 =	vadd.f32 v4, v5  }
0x8c: {  	v5 =	vld [tilespmem:s19+$0x6420]  }
0x8d: {  	v2 =	vadd.f32 v2, v4  }
0x8e: {  	v4 =	vld [tilespmem:s19+$0x64A0]  }
0x8f: {  	v7 =	vld [tilespmem:s18+$0x6430];
	v2 =	vadd.f32 v3, v2  }
0x90: {  	v3 =	vld [tilespmem:s19+$0x6520]  }
0x91: {  	v2 =	vadd.f32 v5, v2  }
0x92: {  	v5 =	vld [tilespmem:s19+$0x65A0]  }
0x93: {  	v8 =	vld [tilespmem:s18+$0x64B0];
	v2 =	vadd.f32 v4, v2;
	_ =	sdelay $0x1  }
0x94: {  	v2 =	vadd.f32 v3, v2;
	v3 =	vadd.f32 v7, v1;
	v1 =	vld [tilespmem:s18+$0x6530];
	_ =	sdelay $0x1  }
0x95: {  	v5 =	vadd.f32 v5, v2;
	v2 =	vld [tilespmem:s18+$0x65B0]  }
0x96: {  	s19 =	simm.s32 $0x200;
	s18 =	simm.s32 $0x1000;
	v3 =	vadd.f32 v8, v3  }
.LBB2_10:
0x97: {  	p1 =	sne.s32 s18, $0xC000;
	v4 =	vld [tilespmem:s19+$0x6430]  }
0x98: {  	v1 =	vadd.f32 v1, v3  }
0x99: {  	v3 =	vld [tilespmem:s19+$0x64B0]  }
.Ltmp4:
0x9a: {  	v2 =	vadd.f32 v2, v1;
	(pc) =	sbr.rel @p1 .LBB2_10-.Ltmp4, $4  }
0x9b: {  	v1 =	vld [tilespmem:s19+$0x6530]  }
0x9c: {  	v4 =	vadd.f32 v4, v2  }
0x9d: {  	v2 =	vld [tilespmem:s19+$0x65B0]  }
0x9e: {  	s19 =	sshra.s32 s18, $0x2;
	s18 =	sadd.s32 $0x800, s18;
	v3 =	vadd.f32 v3, v4  }
0x9f: {  	v4 =	vld [tilespmem:s19+$0x6430]  }
0xa0: {  	v1 =	vadd.f32 v1, v3  }
0xa1: {  	v3 =	vld [tilespmem:s19+$0x64B0]  }
0xa2: {  	v1 =	vadd.f32 v2, v1  }
0xa3: {  	s18 =	simm.s32 $0x0;
	v2 =	vld [tilespmem:s19+$0x6530]  }
0xa4: {  	v7 =	vld [tilespmem:s18+$0x6440];
	v1 =	vadd.f32 v4, v1  }
0xa5: {  	v4 =	vld [tilespmem:s19+$0x65B0]  }
0xa6: {  	v8 =	vld [tilespmem:s18+$0x64C0];
	v3 =	vadd.f32 v3, v1;
	_ =	sdelay $0x1  }
0xa7: {  	v1 =	vimm.f32 $0.0e+00;
	v3 =	vadd.f32 v2, v3;
	v2 =	vld [tilespmem:s18+$0x6540]  }
0xa8: {  	v7 =	vadd.f32 v7, v1  }
0xa9: {  	v4 =	vadd.f32 v4, v3;
	v3 =	vld [tilespmem:s18+$0x65C0]  }
0xaa: {  	s20 =	simm.s32 $0x1000;
	s19 =	simm.s32 $0x200;
	v7 =	vadd.f32 v8, v7  }
.LBB2_12:
0xab: {  	p1 =	sne.s32 s20, $0xC000;
	v8 =	vld [tilespmem:s19+$0x6440]  }
0xac: {  	v2 =	vadd.f32 v2, v7  }
0xad: {  	v7 =	vld [tilespmem:s19+$0x64C0]  }
.Ltmp5:
0xae: {  	v3 =	vadd.f32 v3, v2;
	(pc) =	sbr.rel @p1 .LBB2_12-.Ltmp5, $4  }
0xaf: {  	v2 =	vld [tilespmem:s19+$0x6540]  }
0xb0: {  	v8 =	vadd.f32 v8, v3  }
0xb1: {  	v3 =	vld [tilespmem:s19+$0x65C0]  }
0xb2: {  	s19 =	sshra.s32 s20, $0x2;
	s20 =	sadd.s32 $0x800, s20;
	v7 =	vadd.f32 v7, v8  }
0xb3: {  	v8 =	vld [tilespmem:s19+$0x6440]  }
0xb4: {  	v2 =	vadd.f32 v2, v7  }
0xb5: {  	v7 =	vld [tilespmem:s19+$0x64C0]  }
0xb6: {  	v9 =	vld [tilespmem:s18+$0x6450];
	v2 =	vadd.f32 v3, v2  }
0xb7: {  	v3 =	vld [tilespmem:s19+$0x6540]  }
0xb8: {  	v2 =	vadd.f32 v8, v2  }
0xb9: {  	v8 =	vld [tilespmem:s19+$0x65C0]  }
0xba: {  	v10 =	vld [tilespmem:s18+$0x64D0];
	v2 =	vadd.f32 v7, v2;
	_ =	sdelay $0x1  }
0xbb: {  	v7 =	vadd.f32 v9, v1;
	v1 =	vld [tilespmem:s18+$0x6550];
	v2 =	vadd.f32 v3, v2;
	_ =	sdelay $0x1  }
0xbc: {  	v3 =	vadd.f32 v8, v2;
	v2 =	vld [tilespmem:s18+$0x65D0]  }
0xbd: {  	s19 =	simm.s32 $0x200;
	v7 =	vadd.f32 v10, v7;
	s18 =	simm.s32 $0x1000  }
.LBB2_14:
0xbe: {  	p1 =	sne.s32 s18, $0xC000;
	v8 =	vld [tilespmem:s19+$0x6450]  }
0xbf: {  	v1 =	vadd.f32 v1, v7  }
0xc0: {  	v7 =	vld [tilespmem:s19+$0x64D0]  }
.Ltmp6:
0xc1: {  	v2 =	vadd.f32 v2, v1;
	(pc) =	sbr.rel @p1 .LBB2_14-.Ltmp6, $4  }
0xc2: {  	v1 =	vld [tilespmem:s19+$0x6550]  }
0xc3: {  	v8 =	vadd.f32 v8, v2  }
0xc4: {  	v2 =	vld [tilespmem:s19+$0x65D0]  }
0xc5: {  	s19 =	sshra.s32 s18, $0x2;
	s18 =	sadd.s32 $0x800, s18;
	v7 =	vadd.f32 v7, v8  }
0xc6: {  	v8 =	vld [tilespmem:s19+$0x6450]  }
0xc7: {  	v1 =	vadd.f32 v1, v7  }
0xc8: {  	v7 =	vld [tilespmem:s19+$0x64D0]  }
0xc9: {  	v1 =	vadd.f32 v2, v1  }
0xca: {  	s18 =	simm.s32 $0x0;
	v2 =	vld [tilespmem:s19+$0x6550]  }
0xcb: {  	v9 =	vld [tilespmem:s18+$0x6460];
	v1 =	vadd.f32 v8, v1  }
0xcc: {  	v8 =	vld [tilespmem:s19+$0x65D0]  }
0xcd: {  	v10 =	vld [tilespmem:s18+$0x64E0];
	v7 =	vadd.f32 v7, v1;
	_ =	sdelay $0x1  }
0xce: {  	v1 =	vimm.f32 $0.0e+00;
	v2 =	vadd.f32 v2, v7;
	v7 =	vld [tilespmem:s18+$0x6560]  }
0xcf: {  	v9 =	vadd.f32 v9, v1  }
0xd0: {  	v2 =	vadd.f32 v8, v2;
	v8 =	vld [tilespmem:s18+$0x65E0]  }
0xd1: {  	s20 =	simm.s32 $0x1000;
	s19 =	simm.s32 $0x200;
	v9 =	vadd.f32 v10, v9  }
.LBB2_16:
0xd2: {  	p1 =	sne.s32 s20, $0xC000;
	v10 =	vld [tilespmem:s19+$0x6460]  }
0xd3: {  	v7 =	vadd.f32 v7, v9  }
0xd4: {  	v9 =	vld [tilespmem:s19+$0x64E0]  }
.Ltmp7:
0xd5: {  	v8 =	vadd.f32 v8, v7;
	(pc) =	sbr.rel @p1 .LBB2_16-.Ltmp7, $4  }
0xd6: {  	v7 =	vld [tilespmem:s19+$0x6560]  }
0xd7: {  	v10 =	vadd.f32 v10, v8  }
0xd8: {  	v8 =	vld [tilespmem:s19+$0x65E0]  }
0xd9: {  	s19 =	sshra.s32 s20, $0x2;
	s20 =	sadd.s32 $0x800, s20;
	v9 =	vadd.f32 v9, v10  }
0xda: {  	v10 =	vld [tilespmem:s19+$0x6460]  }
0xdb: {  	v7 =	vadd.f32 v7, v9  }
0xdc: {  	v9 =	vld [tilespmem:s19+$0x64E0]  }
0xdd: {  	v7 =	vadd.f32 v8, v7  }
0xde: {  	v8 =	vld [tilespmem:s19+$0x6560]  }
0xdf: {  	v11 =	vld [tilespmem:s18+$0x6470];
	v7 =	vadd.f32 v10, v7  }
0xe0: {  	v10 =	vld [tilespmem:s19+$0x65E0]  }
0xe1: {  	v12 =	vld [tilespmem:s18+$0x64F0];
	v7 =	vadd.f32 v9, v7;
	_ =	sdelay $0x1  }
0xe2: {  	v7 =	vadd.f32 v8, v7;
	v8 =	vld [tilespmem:s18+$0x6570]  }
0xe3: {  	v9 =	vadd.f32 v11, v1  }
0xe4: {  	v1 =	vadd.f32 v10, v7;
	v7 =	vld [tilespmem:s18+$0x65F0]  }
0xe5: {  	s19 =	simm.s32 $0x1000;
	v9 =	vadd.f32 v12, v9;
	s18 =	simm.s32 $0x200  }
.LBB2_18:
0xe6: {  	p1 =	sne.s32 s19, $0xC000;
	v10 =	vld [tilespmem:s18+$0x6470]  }
0xe7: {  	v8 =	vadd.f32 v8, v9  }
0xe8: {  	v9 =	vld [tilespmem:s18+$0x64F0]  }
.Ltmp8:
0xe9: {  	v7 =	vadd.f32 v7, v8;
	(pc) =	sbr.rel @p1 .LBB2_18-.Ltmp8, $4  }
0xea: {  	v8 =	vld [tilespmem:s18+$0x6570]  }
0xeb: {  	v10 =	vadd.f32 v10, v7  }
0xec: {  	v7 =	vld [tilespmem:s18+$0x65F0]  }
0xed: {  	s18 =	sshra.s32 s19, $0x2;
	s19 =	sadd.s32 $0x800, s19;
	v9 =	vadd.f32 v9, v10  }
0xee: {  	v10 =	vld [tilespmem:s18+$0x6470]  }
0xef: {  	v11 =	vld [tilespmem:s18+$0x64F0]  }
0xf0: {  	v12 =	vld [tilespmem:s18+$0x6570];
	v8 =	vadd.f32 v8, v9  }
0xf1: {  	v13 =	vld [tilespmem:s18+$0x65F0];
	_ =	swait.ge [sflag:s15], $0x3200  }
0xf2: {  	[sflag:s15] =	ssyncset.done $0x0;
	v7 =	vadd.f32 v7, v8  }
0xf3: {  	s20 =	simm.s32 $0x0;
	[sflag:s15] =	ssyncadd.s32 $0xFFFFCE00  }
0xf4: {  	v8 =	vld [tilespmem:s20+$0x9600];
	v7 =	vadd.f32 v10, v7;
	_ =	sdelay $0x1  }
0xf5: {  	v9 =	vld [tilespmem:s20+$0x9680];
	v7 =	vadd.f32 v11, v7;
	_ =	sdelay $0x1  }
0xf6: {  	v10 =	vadd.f32 v12, v7;
	v7 =	vld [tilespmem:s20+$0x9700]  }
0xf7: {  	v11 =	vadd.f32 v8, v0  }
0xf8: {  	v8 =	vld [tilespmem:s20+$0x9780]  }
0xf9: {  	s18 =	simm.s32 $0x200;
	s19 =	simm.s32 $0x1000;
	v9 =	vadd.f32 v9, v11;
	v0 =	vadd.f32 v13, v10  }
.LBB2_20:
0xfa: {  	p1 =	sne.s32 s19, $0xC000;
	v10 =	vld [tilespmem:s18+$0x9600]  }
0xfb: {  	v7 =	vadd.f32 v7, v9  }
0xfc: {  	v9 =	vld [tilespmem:s18+$0x9680]  }
.Ltmp9:
0xfd: {  	v8 =	vadd.f32 v8, v7;
	(pc) =	sbr.rel @p1 .LBB2_20-.Ltmp9, $4  }
0xfe: {  	v7 =	vld [tilespmem:s18+$0x9700]  }
0xff: {  	v10 =	vadd.f32 v10, v8  }
0x100: {  	v8 =	vld [tilespmem:s18+$0x9780]  }
0x101: {  	s18 =	sshra.s32 s19, $0x2;
	s19 =	sadd.s32 $0x800, s19;
	v9 =	vadd.f32 v9, v10  }
0x102: {  	v10 =	vld [tilespmem:s18+$0x9600]  }
0x103: {  	v7 =	vadd.f32 v7, v9  }
0x104: {  	v9 =	vld [tilespmem:s18+$0x9680]  }
0x105: {  	v7 =	vadd.f32 v8, v7  }
0x106: {  	v8 =	vld [tilespmem:s18+$0x9700]  }
0x107: {  	v7 =	vadd.f32 v10, v7  }
0x108: {  	v10 =	vld [tilespmem:s18+$0x9780]  }
0x109: {  	v7 =	vadd.f32 v9, v7;
	_ =	sdelay $0x1  }
0x10a: {  	v7 =	vadd.f32 v8, v7;
	_ =	sdelay $0x1  }
0x10b: {  	v7 =	vadd.f32 v10, v7;
	_ =	sdelay $0x1  }
0x10c: {  	v7 =	vmul.f32 $-4.999999890e-03, v7;
	_ =	sdelay $0x1  }
0x10d: {  	v7 =	vadd.f32 $0.0e+00, v7;
	_ =	sdelay $0x1  }
0x10e: {  	v7 =	vmul.f32 $1.442695020e+00, v7;
	_ =	sdelay $0x1  }
0x10f: {  	(erf) = vpow2.f32 v7;
	_ =	sdelay $0x8  }
0x110: {  	v7 =	vpop (erf)  }
0x111: {  	v7 =	vadd.f32 $1.000000000e+00, v7;
	_ =	sdelay $0x1  }
0x112: {  	(erf) = vrcp.f32 v7;
	_ =	sdelay $0x8  }
0x113: {  	v7 =	vpop (erf)  }
0x114: {  	s20 =	simm.s32 $0x0;
	[tilespmem:$0xC800] =	vst v7  }
0x115: {  	v7 =	vld [tilespmem:s20+$0x9610];
	_ =	sdelay $0x2  }
0x116: {  	v8 =	vld [tilespmem:s20+$0x9690];
	_ =	sdelay $0x1  }
0x117: {  	v9 =	vadd.f32 v7, v6;
	v7 =	vld [tilespmem:s20+$0x9710];
	_ =	sdelay $0x1  }
0x118: {  	v6 =	vld [tilespmem:s20+$0x9790]  }
0x119: {  	s19 =	simm.s32 $0x1000;
	s18 =	simm.s32 $0x200;
	v8 =	vadd.f32 v8, v9  }
.LBB2_22:
0x11a: {  	p1 =	sne.s32 s19, $0xC000;
	v9 =	vld [tilespmem:s18+$0x9610]  }
0x11b: {  	v7 =	vadd.f32 v7, v8  }
0x11c: {  	v8 =	vld [tilespmem:s18+$0x9690]  }
.Ltmp10:
0x11d: {  	v6 =	vadd.f32 v6, v7;
	(pc) =	sbr.rel @p1 .LBB2_22-.Ltmp10, $4  }
0x11e: {  	v7 =	vld [tilespmem:s18+$0x9710]  }
0x11f: {  	v9 =	vadd.f32 v9, v6  }
0x120: {  	v6 =	vld [tilespmem:s18+$0x9790]  }
0x121: {  	s18 =	sshra.s32 s19, $0x2;
	s19 =	sadd.s32 $0x800, s19;
	v8 =	vadd.f32 v8, v9  }
0x122: {  	v9 =	vld [tilespmem:s18+$0x9610]  }
0x123: {  	v7 =	vadd.f32 v7, v8  }
0x124: {  	v8 =	vld [tilespmem:s18+$0x9690]  }
0x125: {  	v6 =	vadd.f32 v6, v7  }
0x126: {  	v7 =	vld [tilespmem:s18+$0x9710]  }
0x127: {  	v6 =	vadd.f32 v9, v6  }
0x128: {  	v63 =	vld [tilespmem:s18+$0x9790]  }
0x129: {  	v6 =	vadd.f32 v8, v6;
	_ =	sdelay $0x1  }
0x12a: {  	v6 =	vadd.f32 v7, v6;
	_ =	sdelay $0x1  }
0x12b: {  	v6 =	vadd.f32 v63, v6;
	_ =	sdelay $0x1  }
0x12c: {  	v6 =	vmul.f32 $-4.999999890e-03, v6;
	_ =	sdelay $0x1  }
0x12d: {  	v6 =	vadd.f32 $0.0e+00, v6;
	_ =	sdelay $0x1  }
0x12e: {  	v6 =	vmul.f32 $1.442695020e+00, v6;
	_ =	sdelay $0x1  }
0x12f: {  	(erf) = vpow2.f32 v6;
	_ =	sdelay $0x8  }
0x130: {  	v6 =	vpop (erf)  }
0x131: {  	v6 =	vadd.f32 $1.000000000e+00, v6;
	_ =	sdelay $0x1  }
0x132: {  	(erf) = vrcp.f32 v6;
	_ =	sdelay $0x8  }
0x133: {  	v6 =	vpop (erf)  }
0x134: {  	s20 =	simm.s32 $0x0;
	[tilespmem:$0xC810] =	vst v6  }
0x135: {  	v6 =	vld [tilespmem:s20+$0x9620];
	_ =	sdelay $0x2  }
0x136: {  	v7 =	vld [tilespmem:s20+$0x96A0];
	_ =	sdelay $0x1  }
0x137: {  	v8 =	vadd.f32 v6, v5;
	v6 =	vld [tilespmem:s20+$0x9720];
	_ =	sdelay $0x1  }
0x138: {  	v5 =	vld [tilespmem:s20+$0x97A0]  }
0x139: {  	s19 =	simm.s32 $0x1000;
	s18 =	simm.s32 $0x200;
	v7 =	vadd.f32 v7, v8  }
.LBB2_24:
0x13a: {  	p1 =	sne.s32 s19, $0xC000;
	v8 =	vld [tilespmem:s18+$0x9620]  }
0x13b: {  	v6 =	vadd.f32 v6, v7  }
0x13c: {  	v7 =	vld [tilespmem:s18+$0x96A0]  }
.Ltmp11:
0x13d: {  	v5 =	vadd.f32 v5, v6;
	(pc) =	sbr.rel @p1 .LBB2_24-.Ltmp11, $4  }
0x13e: {  	v6 =	vld [tilespmem:s18+$0x9720]  }
0x13f: {  	v8 =	vadd.f32 v8, v5  }
0x140: {  	v5 =	vld [tilespmem:s18+$0x97A0]  }
0x141: {  	s18 =	sshra.s32 s19, $0x2;
	s19 =	sadd.s32 $0x800, s19;
	v7 =	vadd.f32 v7, v8  }
0x142: {  	v8 =	vld [tilespmem:s18+$0x9620]  }
0x143: {  	v6 =	vadd.f32 v6, v7  }
0x144: {  	v7 =	vld [tilespmem:s18+$0x96A0]  }
0x145: {  	v5 =	vadd.f32 v5, v6  }
0x146: {  	v6 =	vld [tilespmem:s18+$0x9720]  }
0x147: {  	v5 =	vadd.f32 v8, v5  }
0x148: {  	v8 =	vld [tilespmem:s18+$0x97A0]  }
0x149: {  	v5 =	vadd.f32 v7, v5;
	_ =	sdelay $0x1  }
0x14a: {  	v5 =	vadd.f32 v6, v5;
	_ =	sdelay $0x1  }
0x14b: {  	v5 =	vadd.f32 v8, v5;
	_ =	sdelay $0x1  }
0x14c: {  	v5 =	vmul.f32 $-4.999999890e-03, v5;
	_ =	sdelay $0x1  }
0x14d: {  	v5 =	vadd.f32 $0.0e+00, v5;
	_ =	sdelay $0x1  }
0x14e: {  	v5 =	vmul.f32 $1.442695020e+00, v5;
	_ =	sdelay $0x1  }
0x14f: {  	(erf) = vpow2.f32 v5;
	_ =	sdelay $0x8  }
0x150: {  	v5 =	vpop (erf)  }
0x151: {  	v5 =	vadd.f32 $1.000000000e+00, v5;
	_ =	sdelay $0x1  }
0x152: {  	(erf) = vrcp.f32 v5;
	_ =	sdelay $0x8  }
0x153: {  	v5 =	vpop (erf)  }
0x154: {  	s20 =	simm.s32 $0x0;
	[tilespmem:$0xC820] =	vst v5  }
0x155: {  	v5 =	vld [tilespmem:s20+$0x9630];
	_ =	sdelay $0x2  }
0x156: {  	v6 =	vld [tilespmem:s20+$0x96B0];
	_ =	sdelay $0x1  }
0x157: {  	v7 =	vadd.f32 v5, v4;
	v5 =	vld [tilespmem:s20+$0x9730];
	_ =	sdelay $0x1  }
0x158: {  	v4 =	vld [tilespmem:s20+$0x97B0]  }
0x159: {  	s19 =	simm.s32 $0x1000;
	s18 =	simm.s32 $0x200;
	v6 =	vadd.f32 v6, v7  }
.LBB2_26:
0x15a: {  	p1 =	sne.s32 s19, $0xC000;
	v7 =	vld [tilespmem:s18+$0x9630]  }
0x15b: {  	v5 =	vadd.f32 v5, v6  }
0x15c: {  	v6 =	vld [tilespmem:s18+$0x96B0]  }
.Ltmp12:
0x15d: {  	v4 =	vadd.f32 v4, v5;
	(pc) =	sbr.rel @p1 .LBB2_26-.Ltmp12, $4  }
0x15e: {  	v5 =	vld [tilespmem:s18+$0x9730]  }
0x15f: {  	v7 =	vadd.f32 v7, v4  }
0x160: {  	v4 =	vld [tilespmem:s18+$0x97B0]  }
0x161: {  	s18 =	sshra.s32 s19, $0x2;
	s19 =	sadd.s32 $0x800, s19;
	v6 =	vadd.f32 v6, v7  }
0x162: {  	v7 =	vld [tilespmem:s18+$0x9630]  }
0x163: {  	v5 =	vadd.f32 v5, v6  }
0x164: {  	v6 =	vld [tilespmem:s18+$0x96B0]  }
0x165: {  	v4 =	vadd.f32 v4, v5  }
0x166: {  	v5 =	vld [tilespmem:s18+$0x9730]  }
0x167: {  	v4 =	vadd.f32 v7, v4  }
0x168: {  	v7 =	vld [tilespmem:s18+$0x97B0]  }
0x169: {  	v4 =	vadd.f32 v6, v4;
	_ =	sdelay $0x1  }
0x16a: {  	v4 =	vadd.f32 v5, v4;
	_ =	sdelay $0x1  }
0x16b: {  	v4 =	vadd.f32 v7, v4;
	_ =	sdelay $0x1  }
0x16c: {  	v4 =	vmul.f32 $-4.999999890e-03, v4;
	_ =	sdelay $0x1  }
0x16d: {  	v4 =	vadd.f32 $0.0e+00, v4;
	_ =	sdelay $0x1  }
0x16e: {  	v4 =	vmul.f32 $1.442695020e+00, v4;
	_ =	sdelay $0x1  }
0x16f: {  	(erf) = vpow2.f32 v4;
	_ =	sdelay $0x8  }
0x170: {  	v4 =	vpop (erf)  }
0x171: {  	v4 =	vadd.f32 $1.000000000e+00, v4;
	_ =	sdelay $0x1  }
0x172: {  	(erf) = vrcp.f32 v4;
	_ =	sdelay $0x8  }
0x173: {  	v4 =	vpop (erf)  }
0x174: {  	s20 =	simm.s32 $0x0;
	[tilespmem:$0xC830] =	vst v4  }
0x175: {  	v4 =	vld [tilespmem:s20+$0x9640];
	_ =	sdelay $0x2  }
0x176: {  	v5 =	vld [tilespmem:s20+$0x96C0];
	_ =	sdelay $0x1  }
0x177: {  	v6 =	vadd.f32 v4, v3;
	v4 =	vld [tilespmem:s20+$0x9740];
	_ =	sdelay $0x1  }
0x178: {  	v3 =	vld [tilespmem:s20+$0x97C0]  }
0x179: {  	s19 =	simm.s32 $0x1000;
	s18 =	simm.s32 $0x200;
	v5 =	vadd.f32 v5, v6  }
.LBB2_28:
0x17a: {  	p1 =	sne.s32 s19, $0xC000;
	v6 =	vld [tilespmem:s18+$0x9640]  }
0x17b: {  	v4 =	vadd.f32 v4, v5  }
0x17c: {  	v5 =	vld [tilespmem:s18+$0x96C0]  }
.Ltmp13:
0x17d: {  	v3 =	vadd.f32 v3, v4;
	(pc) =	sbr.rel @p1 .LBB2_28-.Ltmp13, $4  }
0x17e: {  	v4 =	vld [tilespmem:s18+$0x9740]  }
0x17f: {  	v6 =	vadd.f32 v6, v3  }
0x180: {  	v3 =	vld [tilespmem:s18+$0x97C0]  }
0x181: {  	s18 =	sshra.s32 s19, $0x2;
	s19 =	sadd.s32 $0x800, s19;
	v5 =	vadd.f32 v5, v6  }
0x182: {  	v6 =	vld [tilespmem:s18+$0x9640]  }
0x183: {  	v4 =	vadd.f32 v4, v5  }
0x184: {  	v5 =	vld [tilespmem:s18+$0x96C0]  }
0x185: {  	v3 =	vadd.f32 v3, v4  }
0x186: {  	v4 =	vld [tilespmem:s18+$0x9740]  }
0x187: {  	v3 =	vadd.f32 v6, v3  }
0x188: {  	v6 =	vld [tilespmem:s18+$0x97C0]  }
0x189: {  	v3 =	vadd.f32 v5, v3;
	_ =	sdelay $0x1  }
0x18a: {  	v3 =	vadd.f32 v4, v3;
	_ =	sdelay $0x1  }
0x18b: {  	v3 =	vadd.f32 v6, v3;
	_ =	sdelay $0x1  }
0x18c: {  	v3 =	vmul.f32 $-4.999999890e-03, v3;
	_ =	sdelay $0x1  }
0x18d: {  	v3 =	vadd.f32 $0.0e+00, v3;
	_ =	sdelay $0x1  }
0x18e: {  	v3 =	vmul.f32 $1.442695020e+00, v3;
	_ =	sdelay $0x1  }
0x18f: {  	(erf) = vpow2.f32 v3;
	_ =	sdelay $0x8  }
0x190: {  	v3 =	vpop (erf)  }
0x191: {  	v3 =	vadd.f32 $1.000000000e+00, v3;
	_ =	sdelay $0x1  }
0x192: {  	(erf) = vrcp.f32 v3;
	_ =	sdelay $0x8  }
0x193: {  	v3 =	vpop (erf)  }
0x194: {  	s20 =	simm.s32 $0x0;
	[tilespmem:$0xC840] =	vst v3  }
0x195: {  	v3 =	vld [tilespmem:s20+$0x9650];
	_ =	sdelay $0x2  }
0x196: {  	v4 =	vld [tilespmem:s20+$0x96D0];
	_ =	sdelay $0x1  }
0x197: {  	v5 =	vadd.f32 v3, v2;
	v3 =	vld [tilespmem:s20+$0x9750];
	_ =	sdelay $0x1  }
0x198: {  	v2 =	vld [tilespmem:s20+$0x97D0]  }
0x199: {  	s19 =	simm.s32 $0x1000;
	s18 =	simm.s32 $0x200;
	v4 =	vadd.f32 v4, v5  }
.LBB2_30:
0x19a: {  	p1 =	sne.s32 s19, $0xC000;
	v5 =	vld [tilespmem:s18+$0x9650]  }
0x19b: {  	v3 =	vadd.f32 v3, v4  }
0x19c: {  	v4 =	vld [tilespmem:s18+$0x96D0]  }
.Ltmp14:
0x19d: {  	v2 =	vadd.f32 v2, v3;
	(pc) =	sbr.rel @p1 .LBB2_30-.Ltmp14, $4  }
0x19e: {  	v3 =	vld [tilespmem:s18+$0x9750]  }
0x19f: {  	v5 =	vadd.f32 v5, v2  }
0x1a0: {  	v2 =	vld [tilespmem:s18+$0x97D0]  }
0x1a1: {  	s18 =	sshra.s32 s19, $0x2;
	s19 =	sadd.s32 $0x800, s19;
	v4 =	vadd.f32 v4, v5  }
0x1a2: {  	v5 =	vld [tilespmem:s18+$0x9650]  }
0x1a3: {  	v3 =	vadd.f32 v3, v4  }
0x1a4: {  	v4 =	vld [tilespmem:s18+$0x96D0]  }
0x1a5: {  	v2 =	vadd.f32 v2, v3  }
0x1a6: {  	v3 =	vld [tilespmem:s18+$0x9750]  }
0x1a7: {  	v2 =	vadd.f32 v5, v2  }
0x1a8: {  	v5 =	vld [tilespmem:s18+$0x97D0]  }
0x1a9: {  	v2 =	vadd.f32 v4, v2;
	_ =	sdelay $0x1  }
0x1aa: {  	v2 =	vadd.f32 v3, v2;
	_ =	sdelay $0x1  }
0x1ab: {  	v2 =	vadd.f32 v5, v2;
	_ =	sdelay $0x1  }
0x1ac: {  	v2 =	vmul.f32 $-4.999999890e-03, v2;
	_ =	sdelay $0x1  }
0x1ad: {  	v2 =	vadd.f32 $0.0e+00, v2;
	_ =	sdelay $0x1  }
0x1ae: {  	v2 =	vmul.f32 $1.442695020e+00, v2;
	_ =	sdelay $0x1  }
0x1af: {  	(erf) = vpow2.f32 v2;
	_ =	sdelay $0x8  }
0x1b0: {  	v2 =	vpop (erf)  }
0x1b1: {  	v2 =	vadd.f32 $1.000000000e+00, v2;
	_ =	sdelay $0x1  }
0x1b2: {  	(erf) = vrcp.f32 v2;
	_ =	sdelay $0x8  }
0x1b3: {  	v2 =	vpop (erf)  }
0x1b4: {  	s20 =	simm.s32 $0x0;
	[tilespmem:$0xC850] =	vst v2  }
0x1b5: {  	v2 =	vld [tilespmem:s20+$0x9660];
	_ =	sdelay $0x2  }
0x1b6: {  	v3 =	vld [tilespmem:s20+$0x96E0];
	_ =	sdelay $0x1  }
0x1b7: {  	v4 =	vadd.f32 v2, v1;
	v2 =	vld [tilespmem:s20+$0x9760];
	_ =	sdelay $0x1  }
0x1b8: {  	v1 =	vld [tilespmem:s20+$0x97E0]  }
0x1b9: {  	s19 =	simm.s32 $0x1000;
	s18 =	simm.s32 $0x200;
	v3 =	vadd.f32 v3, v4  }
.LBB2_32:
0x1ba: {  	p1 =	sne.s32 s19, $0xC000;
	v4 =	vld [tilespmem:s18+$0x9660]  }
0x1bb: {  	v2 =	vadd.f32 v2, v3  }
0x1bc: {  	v3 =	vld [tilespmem:s18+$0x96E0]  }
.Ltmp15:
0x1bd: {  	v1 =	vadd.f32 v1, v2;
	(pc) =	sbr.rel @p1 .LBB2_32-.Ltmp15, $4  }
0x1be: {  	v2 =	vld [tilespmem:s18+$0x9760]  }
0x1bf: {  	v4 =	vadd.f32 v4, v1  }
0x1c0: {  	v1 =	vld [tilespmem:s18+$0x97E0]  }
0x1c1: {  	s18 =	sshra.s32 s19, $0x2;
	s19 =	sadd.s32 $0x800, s19;
	v3 =	vadd.f32 v3, v4  }
0x1c2: {  	v4 =	vld [tilespmem:s18+$0x9660]  }
0x1c3: {  	v2 =	vadd.f32 v2, v3  }
0x1c4: {  	v3 =	vld [tilespmem:s18+$0x96E0]  }
0x1c5: {  	v1 =	vadd.f32 v1, v2  }
0x1c6: {  	v2 =	vld [tilespmem:s18+$0x9760]  }
0x1c7: {  	v1 =	vadd.f32 v4, v1  }
0x1c8: {  	v63 =	vld [tilespmem:s18+$0x97E0]  }
0x1c9: {  	v1 =	vadd.f32 v3, v1;
	_ =	sdelay $0x1  }
0x1ca: {  	v1 =	vadd.f32 v2, v1;
	_ =	sdelay $0x1  }
0x1cb: {  	v1 =	vadd.f32 v63, v1;
	_ =	sdelay $0x1  }
0x1cc: {  	v1 =	vmul.f32 $-4.999999890e-03, v1;
	_ =	sdelay $0x1  }
0x1cd: {  	v1 =	vadd.f32 $0.0e+00, v1;
	_ =	sdelay $0x1  }
0x1ce: {  	v1 =	vmul.f32 $1.442695020e+00, v1;
	_ =	sdelay $0x1  }
0x1cf: {  	(erf) = vpow2.f32 v1;
	_ =	sdelay $0x8  }
0x1d0: {  	v1 =	vpop (erf)  }
0x1d1: {  	v1 =	vadd.f32 $1.000000000e+00, v1;
	_ =	sdelay $0x1  }
0x1d2: {  	(erf) = vrcp.f32 v1;
	_ =	sdelay $0x8  }
0x1d3: {  	v1 =	vpop (erf)  }
0x1d4: {  	s20 =	simm.s32 $0x0;
	[tilespmem:$0xC860] =	vst v1  }
0x1d5: {  	v1 =	vld [tilespmem:s20+$0x9670];
	_ =	sdelay $0x2  }
0x1d6: {  	v2 =	vld [tilespmem:s20+$0x96F0];
	_ =	sdelay $0x1  }
0x1d7: {  	v3 =	vadd.f32 v1, v0;
	v1 =	vld [tilespmem:s20+$0x9770];
	_ =	sdelay $0x1  }
0x1d8: {  	v0 =	vld [tilespmem:s20+$0x97F0]  }
0x1d9: {  	s19 =	simm.s32 $0x1000;
	s18 =	simm.s32 $0x200;
	v2 =	vadd.f32 v2, v3  }
.LBB2_34:
0x1da: {  	p1 =	sne.s32 s19, $0xC000;
	v3 =	vld [tilespmem:s18+$0x9670]  }
0x1db: {  	v1 =	vadd.f32 v1, v2  }
0x1dc: {  	v2 =	vld [tilespmem:s18+$0x96F0]  }
.Ltmp16:
0x1dd: {  	v0 =	vadd.f32 v0, v1;
	(pc) =	sbr.rel @p1 .LBB2_34-.Ltmp16, $4  }
0x1de: {  	v1 =	vld [tilespmem:s18+$0x9770]  }
0x1df: {  	v3 =	vadd.f32 v3, v0  }
0x1e0: {  	v0 =	vld [tilespmem:s18+$0x97F0]  }
0x1e1: {  	s18 =	sshra.s32 s19, $0x2;
	s19 =	sadd.s32 $0x800, s19;
	v2 =	vadd.f32 v2, v3  }
0x1e2: {  	v3 =	vld [tilespmem:s18+$0x9670]  }
0x1e3: {  	v1 =	vadd.f32 v1, v2  }
0x1e4: {  	v61 =	vld [tilespmem:s18+$0x96F0]  }
0x1e5: {  	v0 =	vadd.f32 v0, v1  }
0x1e6: {  	v62 =	vld [tilespmem:s18+$0x9770]  }
0x1e7: {  	v0 =	vadd.f32 v3, v0  }
0x1e8: {  	v63 =	vld [tilespmem:s18+$0x97F0]  }
0x1e9: {  	v0 =	vadd.f32 v61, v0;
	_ =	sdelay $0x1  }
0x1ea: {  	v0 =	vadd.f32 v62, v0;
	_ =	sdelay $0x1  }
0x1eb: {  	v0 =	vadd.f32 v63, v0;
	_ =	sdelay $0x1  }
0x1ec: {  	v0 =	vmul.f32 $-4.999999890e-03, v0;
	_ =	sdelay $0x1  }
0x1ed: {  	v0 =	vadd.f32 $0.0e+00, v0;
	_ =	sdelay $0x1  }
0x1ee: {  	v0 =	vmul.f32 $1.442695020e+00, v0;
	_ =	sdelay $0x1  }
0x1ef: {  	(erf) = vpow2.f32 v0;
	_ =	sdelay $0x8  }
0x1f0: {  	v0 =	vpop (erf)  }
0x1f1: {  	v0 =	vadd.f32 $1.000000000e+00, v0;
	_ =	sdelay $0x1  }
0x1f2: {  	(erf) = vrcp.f32 v0;
	_ =	sdelay $0x7  }
0x1f3: {  	s17 =	sadd.s32 $0x1, s17  }
0x1f4: {  	p1 =	sne.s32 s17, s6;
	v0 =	vpop (erf)  }
.Ltmp17:
0x1f5: {  	[tilespmem:$0xC870] =	vst v0;
	(pc) =	sbr.rel @p1 .LBB2_1-.Ltmp17, $4  }
0x1f6: {  	[hbm4b:s5+s2] =	stream.linear.scatter [tilespmem:s16], [sflag:$0x3], $0x80, $0x38;
	[tilespmem:$0x1BCA8] =	vst v63  }
0x1f7: {  	_ =	swait.ge [sflag:s8], $0x80  }
0x1f8: {  	[sflag:s8] =	ssyncset.done $0x0  }
0x1f9: {  	[sflag:s8] =	ssyncadd.s32 $0xFFFFFF80  }
0x1fa: {  	_ =	sfence.sel $0x180000  }
0x1fb: {  	[bflag:$0x0] =	sbarrier.arrive $0xFFFF  }
0x1fc: {  	_ =	strace $0x90000047  }
0x1fd: {  	[bflag:$0x2] =	sbarrier.arrive $0xFFFF  }
0x1fe: {  	s0 =	rddreg [dreg:$0x3]  }
0x1ff: {  	s0 =	sadd.s32 @!p0 $0x100000, s0  }
0x200: {  	[sflag:s0] =	ssyncadd.tile.s32 @!p0 $0x1;
	_ =	shalt  }
.Lfunc_end2:
_tile_overlayer_lowered:
.L_overlay_start_2:
0x201: {  	(tag) =	ssettag $0x2  }
0x202: {  	s0 =	rddreg [dreg:$0x0];
	s2 =	stileid.u32  }
0x203: {  	s1 =	rddreg [dreg:$0x1];
	p0 =	sne.s32 s2, $0x0  }
0x204: {  	s3 =	rddreg [dreg:$0x2];
	[bflag:$0x3] =	sbarrier.arrive $0xFFFF;
	s2 =	simm.s32 @!p0 $0x1C03  }
0x205: {  	[timem:s3], [sflag:s2] =	dma.local @!p0 [hbm:s0], s1  }
0x206: {  	s0 =	simm.s32 @!p0 $0x3  }
0x207: {  	_ =	swait.ge @!p0 [sflag:s0], s1  }
0x208: {  	s1 =	ssub.s32 @!p0 $0x0, s1;
	[sflag:s0] =	ssyncset.done @!p0 $0x0  }
0x209: {  	[sflag:s0] =	ssyncadd.s32 @!p0 s1  }
0x20a: {  	[bflag:$0x3] =	sbarrier.arrive $0xFFFF  }
0x20b: {  	_ =	shalt  }

</sc_bundles>
